<compile_context>
chip_gen: v7x
topology: tpu7x:2x2x1
jax: 0.10.2.dev20260603
libtpu: 0.0.44.dev20260713+nightly
codegen_flags: <defaults>
</compile_context>

<pallas_src>
import functools

import jax
import jax.numpy as jnp
from jax import lax
from jax.experimental import pallas as pl
from jax.experimental.pallas import tpu as pltpu
from jax.experimental.pallas import tpu_sc as plsc

SEQ = 50
BATCH = 1024
DIM = 64
ROWS_BLK = 25600
LANES_TC = 128
NUM_WORKERS = 32
COLS_PER_W = BATCH // NUM_WORKERS
LANES = 16
IDX_PER_W = SEQ * COLS_PER_W

def _proj_body(tblt_ref, w_ref, b_ref, out_ref):
    x = tblt_ref[...]
    w = w_ref[...]
    t = jnp.dot(w, x, preferred_element_type=jnp.float32)
    out_ref[...] = t[0] + b_ref[0]


def _project_table(emb_table, W, b):
    tbl_t = emb_table.T
    vocab = emb_table.shape[0]
    grid = pl.cdiv(vocab, ROWS_BLK)
    return pl.pallas_call(
        _proj_body,
        grid=(grid,),
        in_specs=[
            pl.BlockSpec((DIM, ROWS_BLK), lambda i: (0, i)),
            pl.BlockSpec((1, DIM), lambda i: (0, 0)),
            pl.BlockSpec(memory_space=pltpu.SMEM),
        ],
        out_specs=pl.BlockSpec((ROWS_BLK,), lambda i: (i,)),
        out_shape=jax.ShapeDtypeStruct((grid * ROWS_BLK,), jnp.float32),
    )(tbl_t, W, b)


def _rsqrt(x):
    m = x
    r = jnp.full_like(x, 1.0)
    for k in (32, 16, 8, 4, 2, 1):
        big = m >= 4.0 ** k
        m = jnp.where(big, m * 4.0 ** (-k), m)
        r = jnp.where(big, r * 2.0 ** (-k), r)
    for k in (32, 16, 8, 4, 2, 1):
        small = m < 4.0 ** (1 - k)
        m = jnp.where(small, m * 4.0 ** k, m)
        r = jnp.where(small, r * 2.0 ** k, r)
    y = 1.4 - 0.4583 * m + 0.0583 * m * m
    for _ in range(4):
        y = y * (1.5 - 0.5 * m * y * y)
    return y * r


def _sc_cos_sim(p, q1, q2):
    mesh = plsc.VectorSubcoreMesh(core_axis_name="c", subcore_axis_name="s")

    @functools.partial(
        pl.kernel,
        mesh=mesh,
        out_type=jax.ShapeDtypeStruct((BATCH,), jnp.float32),
        scratch_types=[
            pltpu.VMEM((SEQ, 4 * COLS_PER_W), jnp.int32),
            pltpu.VMEM((SEQ, 4 * COLS_PER_W), jnp.int32),
            pltpu.VMEM((SEQ, COLS_PER_W), jnp.float32),
            pltpu.VMEM((SEQ, COLS_PER_W), jnp.float32),
            pltpu.VMEM((2 * IDX_PER_W,), jnp.float32),
            pltpu.VMEM((COLS_PER_W,), jnp.float32),
            pltpu.SemaphoreType.DMA,
            pltpu.SemaphoreType.DMA,
        ],
    )
    def k(p_hbm, q1_hbm, q2_hbm, out_hbm, idx1, idx2, v1, v2, drain, ob,
          sem, sem2):
        wid = lax.axis_index("s") * 2 + lax.axis_index("c")
        base = wid * COLS_PER_W
        grp = (wid // 4) * (4 * COLS_PER_W)
        sub = (wid % 4) * COLS_PER_W
        ca = pltpu.async_copy(q1_hbm.at[:, pl.ds(grp, 4 * COLS_PER_W)],
                              idx1, sem2)
        cb = pltpu.async_copy(q2_hbm.at[:, pl.ds(grp, 4 * COLS_PER_W)],
                              idx2, sem2)
        ca.wait()
        cb.wait()
        def issue(s):
            pltpu.async_copy(p_hbm.at[idx1.at[s, pl.ds(sub, COLS_PER_W)]],
                             v1.at[s], sem)
            pltpu.async_copy(p_hbm.at[idx2.at[s, pl.ds(sub, COLS_PER_W)]],
                             v2.at[s], sem)
        pl.loop(0, SEQ, unroll=10)(issue)
        pltpu.make_async_copy(p_hbm.at[pl.ds(0, 2 * IDX_PER_W)], drain,
                              sem).wait()
        for g in range(COLS_PER_W // LANES):
            def body(s, carry):
                d, a, c = carry
                x = v1[s, pl.ds(g * LANES, LANES)]
                y = v2[s, pl.ds(g * LANES, LANES)]
                return d + x * y, a + x * x, c + y * y
            z = jnp.zeros((LANES,), jnp.float32)
            d, a, c = lax.fori_loop(0, SEQ, body, (z, z, z))
            denom2 = jnp.maximum(a, 1e-16) * jnp.maximum(c, 1e-16)
            cos = d * _rsqrt(denom2)
            ob[pl.ds(g * LANES, LANES)] = 1.0 / (1.0 + jnp.exp(-cos))
        pltpu.sync_copy(ob, out_hbm.at[pl.ds(base, COLS_PER_W)])

    return k(p, q1, q2)


def kernel(question1, question2, emb_table, W, b):
    q1 = question1.astype(jnp.int32)
    q2 = question2.astype(jnp.int32)
    p = _project_table(emb_table, W, b)
    return _sc_cos_sim(p, q1, q2)

# --- scband reference (transcript-rebuilt; emitter-appended) ---
"""Pipeline reference for scband-embed-cos-sim-25890062860469 (READ-ONLY COPY).

The authoritative reference and input builder live on the scoring server;
editing this copy changes nothing except your own understanding.
"""

import jax, jax.numpy as jnp
import numpy as np

VOCAB = 100000
EMB_DIM = 64
SEQ_LEN = 50
BATCH = 1024

def setup_inputs(seed: int = 0) -> dict:
    key = jax.random.key(seed)
    k1, k2, k3, k4, k5 = jax.random.split(key, 5)
    question1 = jax.random.randint(k1, (SEQ_LEN, BATCH), 0, VOCAB, dtype=jnp.int64 if jax.config.jax_enable_x64 else jnp.int32)
    question2 = jax.random.randint(k2, (SEQ_LEN, BATCH), 0, VOCAB, dtype=jnp.int64 if jax.config.jax_enable_x64 else jnp.int32)
    emb_table = jax.random.normal(k3, (VOCAB, EMB_DIM), dtype=jnp.float32)
    W = jax.random.normal(k4, (1, EMB_DIM), dtype=jnp.float32) * 0.05
    b = jax.random.normal(k5, (1,), dtype=jnp.float32) * 0.05
    return {"question1": question1, "question2": question2, "emb_table": emb_table, "W": W, "b": b}

def reference(question1, question2, emb_table, W, b):
    # embedding lookup (gather)
    e1 = jnp.take(emb_table, question1, axis=0)  # [S, B, D]
    e2 = jnp.take(emb_table, question2, axis=0)  # [S, B, D]
    # linear projection to 1
    o1 = jnp.dot(e1, W.T) + b  # [S, B, 1]
    o2 = jnp.dot(e2, W.T) + b  # [S, B, 1]
    # cosine similarity along dim=0 (torch semantics: clamp each norm by eps)
    eps = 1e-8
    dot = jnp.sum(o1 * o2, axis=0)              # [B, 1]
    n1 = jnp.sqrt(jnp.sum(o1 * o1, axis=0))     # [B, 1]
    n2 = jnp.sqrt(jnp.sum(o2 * o2, axis=0))     # [B, 1]
    cos = dot / (jnp.maximum(n1, eps) * jnp.maximum(n2, eps))
    return jax.nn.sigmoid(jnp.squeeze(cos, axis=1))  # [B]

if __name__ == "__main__":
    import jax
    _d = setup_inputs()
    print(jax.jit(kernel)(*tuple(_d.values())))

</pallas_src>

<mosaic_0001>
#map = affine_map<(d0, d1) -> (0)>
#map1 = affine_map<(d0, d1) -> (0, 0)>
module attributes {stable_mosaic.version = 14 : i64} {
  func.func @k(%arg0: i32, %arg1: i32, %arg2: memref<102400xf32, #tpu.memory_space<hbm>>, %arg3: memref<50x1024xi32, #tpu.memory_space<hbm>>, %arg4: memref<50x1024xi32, #tpu.memory_space<hbm>>, %arg5: memref<1024xf32, #tpu.memory_space<hbm>>, %arg6: memref<50x128xi32, #tpu.memory_space<vmem>>, %arg7: memref<50x128xi32, #tpu.memory_space<vmem>>, %arg8: memref<50x32xf32, #tpu.memory_space<vmem>>, %arg9: memref<50x32xf32, #tpu.memory_space<vmem>>, %arg10: memref<3200xf32, #tpu.memory_space<vmem>>, %arg11: memref<32xf32, #tpu.memory_space<vmem>>, %arg12: memref<!tpu.dma_semaphore, #tpu.memory_space<semaphore_mem>>, %arg13: memref<!tpu.dma_semaphore, #tpu.memory_space<semaphore_mem>>) attributes {dimension_semantics = [#tpu.dimension_semantics<core_parallel>, #tpu.dimension_semantics<subcore_parallel>], iteration_bounds = array<i64: 2, 16>, scalar_prefetch = 0 : i64, scratch_operands = 8 : i64, tpu.core_type = #tpu.core_type<sc_vector_subcore>, window_params = [{transform_indices = #map}, {transform_indices = #map1}, {transform_indices = #map1}, {transform_indices = #map}]} {
    %mul3A = arith.constant 2 : i32
    %mul3A_0 = arith.muli %arg1, %mul3A : i32
    %add3A = arith.addi %mul3A_0, %arg0 : i32
    %mul3A_1 = arith.constant 32 : i32
    %mul3A_2 = arith.muli %add3A, %mul3A_1 : i32
    %jit3A = arith.constant 4 : i32
    %div3A = arith.divsi %add3A, %jit3A : i32
    %sign3A = arith.constant 0 : i32
    %sign3A_3 = arith.cmpi sgt, %add3A, %sign3A : i32
    %sign3A_4 = arith.extui %sign3A_3 : i1 to i32
    %sign3A_5 = arith.constant 0 : i32
    %sign3A_6 = arith.cmpi slt, %add3A, %sign3A_5 : i32
    %sign3A_7 = arith.extui %sign3A_6 : i1 to i32
    %sign3A_8 = arith.subi %sign3A_4, %sign3A_7 : i32
    %sign3A_9 = arith.constant 0 : i32
    %sign3A_10 = arith.cmpi sgt, %jit3A, %sign3A_9 : i32
    %sign3A_11 = arith.extui %sign3A_10 : i1 to i32
    %sign3A_12 = arith.constant 0 : i32
    %sign3A_13 = arith.cmpi slt, %jit3A, %sign3A_12 : i32
    %sign3A_14 = arith.extui %sign3A_13 : i1 to i32
    %sign3A_15 = arith.subi %sign3A_11, %sign3A_14 : i32
    %ne3A = arith.cmpi ne, %sign3A_8, %sign3A_15 : i32
    %rem3A = arith.remsi %add3A, %jit3A : i32
    %ne3A_16 = arith.constant 0 : i32
    %ne3A_17 = arith.cmpi ne, %rem3A, %ne3A_16 : i32
    %and3A = arith.andi %ne3A, %ne3A_17 : i1
    %sub3A = arith.constant 1 : i32
    %sub3A_18 = arith.subi %div3A, %sub3A : i32
    %select_n3A = arith.select %and3A, %sub3A_18, %div3A : i32
    %mul3A_19 = arith.constant 128 : i32
    %mul3A_20 = arith.muli %select_n3A, %mul3A_19 : i32
    %jit3A_21 = arith.constant 4 : i32
    %eq3A = arith.constant 0 : i32
    %eq3A_22 = arith.cmpi eq, %jit3A_21, %eq3A : i32
    %jit3A_23 = arith.constant 1 : i32
    %select_n3A_24 = arith.select %eq3A_22, %jit3A_23, %jit3A_21 : i32
    %rem3A_25 = arith.remsi %add3A, %select_n3A_24 : i32
    %ne3A_26 = arith.constant 0 : i32
    %ne3A_27 = arith.cmpi ne, %rem3A_25, %ne3A_26 : i32
    %lt3A = arith.constant 0 : i32
    %lt3A_28 = arith.cmpi slt, %rem3A_25, %lt3A : i32
    %lt3A_29 = arith.constant 0 : i32
    %lt3A_30 = arith.cmpi slt, %select_n3A_24, %lt3A_29 : i32
    %ne3A_31 = arith.xori %lt3A_28, %lt3A_30 : i1
    %and3A_32 = arith.andi %ne3A_31, %ne3A_27 : i1
    %add3A_33 = arith.addi %rem3A_25, %select_n3A_24 : i32
    %select_n3A_34 = arith.select %and3A_32, %add3A_33, %rem3A_25 : i32
    %mul3A_35 = arith.constant 32 : i32
    %mul3A_36 = arith.muli %select_n3A_34, %mul3A_35 : i32
    %dma_start3A = arith.constant 0 : i32
    %dma_start3A_37 = tpu.memref_slice %arg3[%dma_start3A, %mul3A_20] : memref<50x1024xi32, #tpu.memory_space<hbm>> -> memref<50x128xi32, #tpu.memory_space<hbm>>
    %dma_start3A_38 = arith.constant 0 : i32
    %dma_start3A_39 = tpu.memref_slice %arg3[%dma_start3A_38, %mul3A_20] : memref<50x1024xi32, #tpu.memory_space<hbm>> -> memref<50x128xi32, #tpu.memory_space<hbm>>
    tpu.enqueue_dma source(%dma_start3A_39 : memref<50x128xi32, #tpu.memory_space<hbm>>) target(%arg6 : memref<50x128xi32, #tpu.memory_space<vmem>>) target_semaphore(%arg13 : memref<!tpu.dma_semaphore, #tpu.memory_space<semaphore_mem>>)
    %dma_start3A_40 = arith.constant 0 : i32
    %dma_start3A_41 = tpu.memref_slice %arg4[%dma_start3A_40, %mul3A_20] : memref<50x1024xi32, #tpu.memory_space<hbm>> -> memref<50x128xi32, #tpu.memory_space<hbm>>
    %dma_start3A_42 = arith.constant 0 : i32
    %dma_start3A_43 = tpu.memref_slice %arg4[%dma_start3A_42, %mul3A_20] : memref<50x1024xi32, #tpu.memory_space<hbm>> -> memref<50x128xi32, #tpu.memory_space<hbm>>
    tpu.enqueue_dma source(%dma_start3A_43 : memref<50x128xi32, #tpu.memory_space<hbm>>) target(%arg7 : memref<50x128xi32, #tpu.memory_space<vmem>>) target_semaphore(%arg13 : memref<!tpu.dma_semaphore, #tpu.memory_space<semaphore_mem>>)
    %dma_wait3A = arith.constant 0 : i32
    %dma_wait3A_44 = tpu.memref_slice %arg3[%dma_wait3A, %mul3A_20] : memref<50x1024xi32, #tpu.memory_space<hbm>> -> memref<50x128xi32, #tpu.memory_space<hbm>>
    %dma_wait3A_45 = arith.constant 0 : i32
    %dma_wait3A_46 = tpu.memref_slice %arg3[%dma_wait3A_45, %mul3A_20] : memref<50x1024xi32, #tpu.memory_space<hbm>> -> memref<50x128xi32, #tpu.memory_space<hbm>>
    tpu.wait_dma2 semaphore(%arg13 : memref<!tpu.dma_semaphore, #tpu.memory_space<semaphore_mem>>) src(%dma_wait3A_46 : memref<50x128xi32, #tpu.memory_space<hbm>>) dst(%arg6 : memref<50x128xi32, #tpu.memory_space<vmem>>)
    %dma_wait3A_47 = arith.constant 0 : i32
    %dma_wait3A_48 = tpu.memref_slice %arg4[%dma_wait3A_47, %mul3A_20] : memref<50x1024xi32, #tpu.memory_space<hbm>> -> memref<50x128xi32, #tpu.memory_space<hbm>>
    %dma_wait3A_49 = arith.constant 0 : i32
    %dma_wait3A_50 = tpu.memref_slice %arg4[%dma_wait3A_49, %mul3A_20] : memref<50x1024xi32, #tpu.memory_space<hbm>> -> memref<50x128xi32, #tpu.memory_space<hbm>>
    tpu.wait_dma2 semaphore(%arg13 : memref<!tpu.dma_semaphore, #tpu.memory_space<semaphore_mem>>) src(%dma_wait3A_50 : memref<50x128xi32, #tpu.memory_space<hbm>>) dst(%arg7 : memref<50x128xi32, #tpu.memory_space<vmem>>)
    %scan3A = arith.constant 0 : i32
    %scan3A_51 = arith.constant 50 : i32
    %scan3A_52 = arith.addi %scan3A, %scan3A_51 : i32
    %scan3A_53 = arith.constant 10 : i32
    scf.for %scan3A_477 = %scan3A to %scan3A_52 step %scan3A_53  : i32 {
      %mul3A_478 = arith.constant 1 : i32
      %mul3A_479 = arith.muli %scan3A_477, %mul3A_478 : i32
      %add3A_480 = arith.constant 0 : i32
      %add3A_481 = arith.addi %add3A_480, %mul3A_479 : i32
      %dma_start3A_482 = arith.constant 0 : i32
      %dma_start3A_483 = tpu.memref_slice %arg8[%add3A_481, %dma_start3A_482] : memref<50x32xf32, #tpu.memory_space<vmem>> -> memref<1x32xf32, #tpu.memory_space<vmem>>
      %dma_start3A_484 = tpu.memref_squeeze %dma_start3A_483 : memref<1x32xf32, #tpu.memory_space<vmem>> -> memref<32xf32, #tpu.memory_space<vmem>>
      %dma_start3A_485 = tpu.memref_slice %arg6[%add3A_481, %mul3A_36] : memref<50x128xi32, #tpu.memory_space<vmem>> -> memref<1x32xi32, #tpu.memory_space<vmem>>
      %dma_start3A_486 = tpu.memref_squeeze %dma_start3A_485 : memref<1x32xi32, #tpu.memory_space<vmem>> -> memref<32xi32, #tpu.memory_space<vmem>>
      %dma_start3A_487 = arith.constant 0 : i32
      %dma_start3A_488 = tpu.memref_slice %arg2[%dma_start3A_487] : memref<102400xf32, #tpu.memory_space<hbm>> -> memref<102400xf32, #tpu.memory_space<hbm>>
      tpu.enqueue_indirect_dma source(%dma_start3A_488 : memref<102400xf32, #tpu.memory_space<hbm>>) target(%dma_start3A_484 : memref<32xf32, #tpu.memory_space<vmem>>) offsets(%dma_start3A_486 : memref<32xi32, #tpu.memory_space<vmem>>) semaphore(%arg12 : memref<!tpu.dma_semaphore, #tpu.memory_space<semaphore_mem>>)
      %dma_start3A_489 = arith.constant 0 : i32
      %dma_start3A_490 = tpu.memref_slice %arg9[%add3A_481, %dma_start3A_489] : memref<50x32xf32, #tpu.memory_space<vmem>> -> memref<1x32xf32, #tpu.memory_space<vmem>>
      %dma_start3A_491 = tpu.memref_squeeze %dma_start3A_490 : memref<1x32xf32, #tpu.memory_space<vmem>> -> memref<32xf32, #tpu.memory_space<vmem>>
      %dma_start3A_492 = tpu.memref_slice %arg7[%add3A_481, %mul3A_36] : memref<50x128xi32, #tpu.memory_space<vmem>> -> memref<1x32xi32, #tpu.memory_space<vmem>>
      %dma_start3A_493 = tpu.memref_squeeze %dma_start3A_492 : memref<1x32xi32, #tpu.memory_space<vmem>> -> memref<32xi32, #tpu.memory_space<vmem>>
      %dma_start3A_494 = arith.constant 0 : i32
      %dma_start3A_495 = tpu.memref_slice %arg2[%dma_start3A_494] : memref<102400xf32, #tpu.memory_space<hbm>> -> memref<102400xf32, #tpu.memory_space<hbm>>
      tpu.enqueue_indirect_dma source(%dma_start3A_495 : memref<102400xf32, #tpu.memory_space<hbm>>) target(%dma_start3A_491 : memref<32xf32, #tpu.memory_space<vmem>>) offsets(%dma_start3A_493 : memref<32xi32, #tpu.memory_space<vmem>>) semaphore(%arg12 : memref<!tpu.dma_semaphore, #tpu.memory_space<semaphore_mem>>)
      %scan3A_496 = arith.constant 1 : i32
      %scan3A_497 = arith.addi %scan3A_477, %scan3A_496 : i32
      %mul3A_498 = arith.constant 1 : i32
      %mul3A_499 = arith.muli %scan3A_497, %mul3A_498 : i32
      %add3A_500 = arith.constant 0 : i32
      %add3A_501 = arith.addi %add3A_500, %mul3A_499 : i32
      %dma_start3A_502 = arith.constant 0 : i32
      %dma_start3A_503 = tpu.memref_slice %arg8[%add3A_501, %dma_start3A_502] : memref<50x32xf32, #tpu.memory_space<vmem>> -> memref<1x32xf32, #tpu.memory_space<vmem>>
      %dma_start3A_504 = tpu.memref_squeeze %dma_start3A_503 : memref<1x32xf32, #tpu.memory_space<vmem>> -> memref<32xf32, #tpu.memory_space<vmem>>
      %dma_start3A_505 = tpu.memref_slice %arg6[%add3A_501, %mul3A_36] : memref<50x128xi32, #tpu.memory_space<vmem>> -> memref<1x32xi32, #tpu.memory_space<vmem>>
      %dma_start3A_506 = tpu.memref_squeeze %dma_start3A_505 : memref<1x32xi32, #tpu.memory_space<vmem>> -> memref<32xi32, #tpu.memory_space<vmem>>
      %dma_start3A_507 = arith.constant 0 : i32
      %dma_start3A_508 = tpu.memref_slice %arg2[%dma_start3A_507] : memref<102400xf32, #tpu.memory_space<hbm>> -> memref<102400xf32, #tpu.memory_space<hbm>>
      tpu.enqueue_indirect_dma source(%dma_start3A_508 : memref<102400xf32, #tpu.memory_space<hbm>>) target(%dma_start3A_504 : memref<32xf32, #tpu.memory_space<vmem>>) offsets(%dma_start3A_506 : memref<32xi32, #tpu.memory_space<vmem>>) semaphore(%arg12 : memref<!tpu.dma_semaphore, #tpu.memory_space<semaphore_mem>>)
      %dma_start3A_509 = arith.constant 0 : i32
      %dma_start3A_510 = tpu.memref_slice %arg9[%add3A_501, %dma_start3A_509] : memref<50x32xf32, #tpu.memory_space<vmem>> -> memref<1x32xf32, #tpu.memory_space<vmem>>
      %dma_start3A_511 = tpu.memref_squeeze %dma_start3A_510 : memref<1x32xf32, #tpu.memory_space<vmem>> -> memref<32xf32, #tpu.memory_space<vmem>>
      %dma_start3A_512 = tpu.memref_slice %arg7[%add3A_501, %mul3A_36] : memref<50x128xi32, #tpu.memory_space<vmem>> -> memref<1x32xi32, #tpu.memory_space<vmem>>
      %dma_start3A_513 = tpu.memref_squeeze %dma_start3A_512 : memref<1x32xi32, #tpu.memory_space<vmem>> -> memref<32xi32, #tpu.memory_space<vmem>>
      %dma_start3A_514 = arith.constant 0 : i32
      %dma_start3A_515 = tpu.memref_slice %arg2[%dma_start3A_514] : memref<102400xf32, #tpu.memory_space<hbm>> -> memref<102400xf32, #tpu.memory_space<hbm>>
      tpu.enqueue_indirect_dma source(%dma_start3A_515 : memref<102400xf32, #tpu.memory_space<hbm>>) target(%dma_start3A_511 : memref<32xf32, #tpu.memory_space<vmem>>) offsets(%dma_start3A_513 : memref<32xi32, #tpu.memory_space<vmem>>) semaphore(%arg12 : memref<!tpu.dma_semaphore, #tpu.memory_space<semaphore_mem>>)
      %scan3A_516 = arith.constant 2 : i32
      %scan3A_517 = arith.addi %scan3A_477, %scan3A_516 : i32
      %mul3A_518 = arith.constant 1 : i32
      %mul3A_519 = arith.muli %scan3A_517, %mul3A_518 : i32
      %add3A_520 = arith.constant 0 : i32
      %add3A_521 = arith.addi %add3A_520, %mul3A_519 : i32
      %dma_start3A_522 = arith.constant 0 : i32
      %dma_start3A_523 = tpu.memref_slice %arg8[%add3A_521, %dma_start3A_522] : memref<50x32xf32, #tpu.memory_space<vmem>> -> memref<1x32xf32, #tpu.memory_space<vmem>>
      %dma_start3A_524 = tpu.memref_squeeze %dma_start3A_523 : memref<1x32xf32, #tpu.memory_space<vmem>> -> memref<32xf32, #tpu.memory_space<vmem>>
      %dma_start3A_525 = tpu.memref_slice %arg6[%add3A_521, %mul3A_36] : memref<50x128xi32, #tpu.memory_space<vmem>> -> memref<1x32xi32, #tpu.memory_space<vmem>>
      %dma_start3A_526 = tpu.memref_squeeze %dma_start3A_525 : memref<1x32xi32, #tpu.memory_space<vmem>> -> memref<32xi32, #tpu.memory_space<vmem>>
      %dma_start3A_527 = arith.constant 0 : i32
      %dma_start3A_528 = tpu.memref_slice %arg2[%dma_start3A_527] : memref<102400xf32, #tpu.memory_space<hbm>> -> memref<102400xf32, #tpu.memory_space<hbm>>
      tpu.enqueue_indirect_dma source(%dma_start3A_528 : memref<102400xf32, #tpu.memory_space<hbm>>) target(%dma_start3A_524 : memref<32xf32, #tpu.memory_space<vmem>>) offsets(%dma_start3A_526 : memref<32xi32, #tpu.memory_space<vmem>>) semaphore(%arg12 : memref<!tpu.dma_semaphore, #tpu.memory_space<semaphore_mem>>)
      %dma_start3A_529 = arith.constant 0 : i32
      %dma_start3A_530 = tpu.memref_slice %arg9[%add3A_521, %dma_start3A_529] : memref<50x32xf32, #tpu.memory_space<vmem>> -> memref<1x32xf32, #tpu.memory_space<vmem>>
      %dma_start3A_531 = tpu.memref_squeeze %dma_start3A_530 : memref<1x32xf32, #tpu.memory_space<vmem>> -> memref<32xf32, #tpu.memory_space<vmem>>
      %dma_start3A_532 = tpu.memref_slice %arg7[%add3A_521, %mul3A_36] : memref<50x128xi32, #tpu.memory_space<vmem>> -> memref<1x32xi32, #tpu.memory_space<vmem>>
      %dma_start3A_533 = tpu.memref_squeeze %dma_start3A_532 : memref<1x32xi32, #tpu.memory_space<vmem>> -> memref<32xi32, #tpu.memory_space<vmem>>
      %dma_start3A_534 = arith.constant 0 : i32
      %dma_start3A_535 = tpu.memref_slice %arg2[%dma_start3A_534] : memref<102400xf32, #tpu.memory_space<hbm>> -> memref<102400xf32, #tpu.memory_space<hbm>>
      tpu.enqueue_indirect_dma source(%dma_start3A_535 : memref<102400xf32, #tpu.memory_space<hbm>>) target(%dma_start3A_531 : memref<32xf32, #tpu.memory_space<vmem>>) offsets(%dma_start3A_533 : memref<32xi32, #tpu.memory_space<vmem>>) semaphore(%arg12 : memref<!tpu.dma_semaphore, #tpu.memory_space<semaphore_mem>>)
      %scan3A_536 = arith.constant 3 : i32
      %scan3A_537 = arith.addi %scan3A_477, %scan3A_536 : i32
      %mul3A_538 = arith.constant 1 : i32
      %mul3A_539 = arith.muli %scan3A_537, %mul3A_538 : i32
      %add3A_540 = arith.constant 0 : i32
      %add3A_541 = arith.addi %add3A_540, %mul3A_539 : i32
      %dma_start3A_542 = arith.constant 0 : i32
      %dma_start3A_543 = tpu.memref_slice %arg8[%add3A_541, %dma_start3A_542] : memref<50x32xf32, #tpu.memory_space<vmem>> -> memref<1x32xf32, #tpu.memory_space<vmem>>
      %dma_start3A_544 = tpu.memref_squeeze %dma_start3A_543 : memref<1x32xf32, #tpu.memory_space<vmem>> -> memref<32xf32, #tpu.memory_space<vmem>>
      %dma_start3A_545 = tpu.memref_slice %arg6[%add3A_541, %mul3A_36] : memref<50x128xi32, #tpu.memory_space<vmem>> -> memref<1x32xi32, #tpu.memory_space<vmem>>
      %dma_start3A_546 = tpu.memref_squeeze %dma_start3A_545 : memref<1x32xi32, #tpu.memory_space<vmem>> -> memref<32xi32, #tpu.memory_space<vmem>>
      %dma_start3A_547 = arith.constant 0 : i32
      %dma_start3A_548 = tpu.memref_slice %arg2[%dma_start3A_547] : memref<102400xf32, #tpu.memory_space<hbm>> -> memref<102400xf32, #tpu.memory_space<hbm>>
      tpu.enqueue_indirect_dma source(%dma_start3A_548 : memref<102400xf32, #tpu.memory_space<hbm>>) target(%dma_start3A_544 : memref<32xf32, #tpu.memory_space<vmem>>) offsets(%dma_start3A_546 : memref<32xi32, #tpu.memory_space<vmem>>) semaphore(%arg12 : memref<!tpu.dma_semaphore, #tpu.memory_space<semaphore_mem>>)
      %dma_start3A_549 = arith.constant 0 : i32
      %dma_start3A_550 = tpu.memref_slice %arg9[%add3A_541, %dma_start3A_549] : memref<50x32xf32, #tpu.memory_space<vmem>> -> memref<1x32xf32, #tpu.memory_space<vmem>>
      %dma_start3A_551 = tpu.memref_squeeze %dma_start3A_550 : memref<1x32xf32, #tpu.memory_space<vmem>> -> memref<32xf32, #tpu.memory_space<vmem>>
      %dma_start3A_552 = tpu.memref_slice %arg7[%add3A_541, %mul3A_36] : memref<50x128xi32, #tpu.memory_space<vmem>> -> memref<1x32xi32, #tpu.memory_space<vmem>>
      %dma_start3A_553 = tpu.memref_squeeze %dma_start3A_552 : memref<1x32xi32, #tpu.memory_space<vmem>> -> memref<32xi32, #tpu.memory_space<vmem>>
      %dma_start3A_554 = arith.constant 0 : i32
      %dma_start3A_555 = tpu.memref_slice %arg2[%dma_start3A_554] : memref<102400xf32, #tpu.memory_space<hbm>> -> memref<102400xf32, #tpu.memory_space<hbm>>
      tpu.enqueue_indirect_dma source(%dma_start3A_555 : memref<102400xf32, #tpu.memory_space<hbm>>) target(%dma_start3A_551 : memref<32xf32, #tpu.memory_space<vmem>>) offsets(%dma_start3A_553 : memref<32xi32, #tpu.memory_space<vmem>>) semaphore(%arg12 : memref<!tpu.dma_semaphore, #tpu.memory_space<semaphore_mem>>)
      %scan3A_556 = arith.constant 4 : i32
      %scan3A_557 = arith.addi %scan3A_477, %scan3A_556 : i32
      %mul3A_558 = arith.constant 1 : i32
      %mul3A_559 = arith.muli %scan3A_557, %mul3A_558 : i32
      %add3A_560 = arith.constant 0 : i32
      %add3A_561 = arith.addi %add3A_560, %mul3A_559 : i32
      %dma_start3A_562 = arith.constant 0 : i32
      %dma_start3A_563 = tpu.memref_slice %arg8[%add3A_561, %dma_start3A_562] : memref<50x32xf32, #tpu.memory_space<vmem>> -> memref<1x32xf32, #tpu.memory_space<vmem>>
      %dma_start3A_564 = tpu.memref_squeeze %dma_start3A_563 : memref<1x32xf32, #tpu.memory_space<vmem>> -> memref<32xf32, #tpu.memory_space<vmem>>
      %dma_start3A_565 = tpu.memref_slice %arg6[%add3A_561, %mul3A_36] : memref<50x128xi32, #tpu.memory_space<vmem>> -> memref<1x32xi32, #tpu.memory_space<vmem>>
      %dma_start3A_566 = tpu.memref_squeeze %dma_start3A_565 : memref<1x32xi32, #tpu.memory_space<vmem>> -> memref<32xi32, #tpu.memory_space<vmem>>
      %dma_start3A_567 = arith.constant 0 : i32
      %dma_start3A_568 = tpu.memref_slice %arg2[%dma_start3A_567] : memref<102400xf32, #tpu.memory_space<hbm>> -> memref<102400xf32, #tpu.memory_space<hbm>>
      tpu.enqueue_indirect_dma source(%dma_start3A_568 : memref<102400xf32, #tpu.memory_space<hbm>>) target(%dma_start3A_564 : memref<32xf32, #tpu.memory_space<vmem>>) offsets(%dma_start3A_566 : memref<32xi32, #tpu.memory_space<vmem>>) semaphore(%arg12 : memref<!tpu.dma_semaphore, #tpu.memory_space<semaphore_mem>>)
      %dma_start3A_569 = arith.constant 0 : i32
      %dma_start3A_570 = tpu.memref_slice %arg9[%add3A_561, %dma_start3A_569] : memref<50x32xf32, #tpu.memory_space<vmem>> -> memref<1x32xf32, #tpu.memory_space<vmem>>
      %dma_start3A_571 = tpu.memref_squeeze %dma_start3A_570 : memref<1x32xf32, #tpu.memory_space<vmem>> -> memref<32xf32, #tpu.memory_space<vmem>>
      %dma_start3A_572 = tpu.memref_slice %arg7[%add3A_561, %mul3A_36] : memref<50x128xi32, #tpu.memory_space<vmem>> -> memref<1x32xi32, #tpu.memory_space<vmem>>
      %dma_start3A_573 = tpu.memref_squeeze %dma_start3A_572 : memref<1x32xi32, #tpu.memory_space<vmem>> -> memref<32xi32, #tpu.memory_space<vmem>>
      %dma_start3A_574 = arith.constant 0 : i32
      %dma_start3A_575 = tpu.memref_slice %arg2[%dma_start3A_574] : memref<102400xf32, #tpu.memory_space<hbm>> -> memref<102400xf32, #tpu.memory_space<hbm>>
      tpu.enqueue_indirect_dma source(%dma_start3A_575 : memref<102400xf32, #tpu.memory_space<hbm>>) target(%dma_start3A_571 : memref<32xf32, #tpu.memory_space<vmem>>) offsets(%dma_start3A_573 : memref<32xi32, #tpu.memory_space<vmem>>) semaphore(%arg12 : memref<!tpu.dma_semaphore, #tpu.memory_space<semaphore_mem>>)
      %scan3A_576 = arith.constant 5 : i32
      %scan3A_577 = arith.addi %scan3A_477, %scan3A_576 : i32
      %mul3A_578 = arith.constant 1 : i32
      %mul3A_579 = arith.muli %scan3A_577, %mul3A_578 : i32
      %add3A_580 = arith.constant 0 : i32
      %add3A_581 = arith.addi %add3A_580, %mul3A_579 : i32
      %dma_start3A_582 = arith.constant 0 : i32
      %dma_start3A_583 = tpu.memref_slice %arg8[%add3A_581, %dma_start3A_582] : memref<50x32xf32, #tpu.memory_space<vmem>> -> memref<1x32xf32, #tpu.memory_space<vmem>>
      %dma_start3A_584 = tpu.memref_squeeze %dma_start3A_583 : memref<1x32xf32, #tpu.memory_space<vmem>> -> memref<32xf32, #tpu.memory_space<vmem>>
      %dma_start3A_585 = tpu.memref_slice %arg6[%add3A_581, %mul3A_36] : memref<50x128xi32, #tpu.memory_space<vmem>> -> memref<1x32xi32, #tpu.memory_space<vmem>>
      %dma_start3A_586 = tpu.memref_squeeze %dma_start3A_585 : memref<1x32xi32, #tpu.memory_space<vmem>> -> memref<32xi32, #tpu.memory_space<vmem>>
      %dma_start3A_587 = arith.constant 0 : i32
      %dma_start3A_588 = tpu.memref_slice %arg2[%dma_start3A_587] : memref<102400xf32, #tpu.memory_space<hbm>> -> memref<102400xf32, #tpu.memory_space<hbm>>
      tpu.enqueue_indirect_dma source(%dma_start3A_588 : memref<102400xf32, #tpu.memory_space<hbm>>) target(%dma_start3A_584 : memref<32xf32, #tpu.memory_space<vmem>>) offsets(%dma_start3A_586 : memref<32xi32, #tpu.memory_space<vmem>>) semaphore(%arg12 : memref<!tpu.dma_semaphore, #tpu.memory_space<semaphore_mem>>)
      %dma_start3A_589 = arith.constant 0 : i32
      %dma_start3A_590 = tpu.memref_slice %arg9[%add3A_581, %dma_start3A_589] : memref<50x32xf32, #tpu.memory_space<vmem>> -> memref<1x32xf32, #tpu.memory_space<vmem>>
      %dma_start3A_591 = tpu.memref_squeeze %dma_start3A_590 : memref<1x32xf32, #tpu.memory_space<vmem>> -> memref<32xf32, #tpu.memory_space<vmem>>
      %dma_start3A_592 = tpu.memref_slice %arg7[%add3A_581, %mul3A_36] : memref<50x128xi32, #tpu.memory_space<vmem>> -> memref<1x32xi32, #tpu.memory_space<vmem>>
      %dma_start3A_593 = tpu.memref_squeeze %dma_start3A_592 : memref<1x32xi32, #tpu.memory_space<vmem>> -> memref<32xi32, #tpu.memory_space<vmem>>
      %dma_start3A_594 = arith.constant 0 : i32
      %dma_start3A_595 = tpu.memref_slice %arg2[%dma_start3A_594] : memref<102400xf32, #tpu.memory_space<hbm>> -> memref<102400xf32, #tpu.memory_space<hbm>>
      tpu.enqueue_indirect_dma source(%dma_start3A_595 : memref<102400xf32, #tpu.memory_space<hbm>>) target(%dma_start3A_591 : memref<32xf32, #tpu.memory_space<vmem>>) offsets(%dma_start3A_593 : memref<32xi32, #tpu.memory_space<vmem>>) semaphore(%arg12 : memref<!tpu.dma_semaphore, #tpu.memory_space<semaphore_mem>>)
      %scan3A_596 = arith.constant 6 : i32
      %scan3A_597 = arith.addi %scan3A_477, %scan3A_596 : i32
      %mul3A_598 = arith.constant 1 : i32
      %mul3A_599 = arith.muli %scan3A_597, %mul3A_598 : i32
      %add3A_600 = arith.constant 0 : i32
      %add3A_601 = arith.addi %add3A_600, %mul3A_599 : i32
      %dma_start3A_602 = arith.constant 0 : i32
      %dma_start3A_603 = tpu.memref_slice %arg8[%add3A_601, %dma_start3A_602] : memref<50x32xf32, #tpu.memory_space<vmem>> -> memref<1x32xf32, #tpu.memory_space<vmem>>
      %dma_start3A_604 = tpu.memref_squeeze %dma_start3A_603 : memref<1x32xf32, #tpu.memory_space<vmem>> -> memref<32xf32, #tpu.memory_space<vmem>>
      %dma_start3A_605 = tpu.memref_slice %arg6[%add3A_601, %mul3A_36] : memref<50x128xi32, #tpu.memory_space<vmem>> -> memref<1x32xi32, #tpu.memory_space<vmem>>
      %dma_start3A_606 = tpu.memref_squeeze %dma_start3A_605 : memref<1x32xi32, #tpu.memory_space<vmem>> -> memref<32xi32, #tpu.memory_space<vmem>>
      %dma_start3A_607 = arith.constant 0 : i32
      %dma_start3A_608 = tpu.memref_slice %arg2[%dma_start3A_607] : memref<102400xf32, #tpu.memory_space<hbm>> -> memref<102400xf32, #tpu.memory_space<hbm>>
      tpu.enqueue_indirect_dma source(%dma_start3A_608 : memref<102400xf32, #tpu.memory_space<hbm>>) target(%dma_start3A_604 : memref<32xf32, #tpu.memory_space<vmem>>) offsets(%dma_start3A_606 : memref<32xi32, #tpu.memory_space<vmem>>) semaphore(%arg12 : memref<!tpu.dma_semaphore, #tpu.memory_space<semaphore_mem>>)
      %dma_start3A_609 = arith.constant 0 : i32
      %dma_start3A_610 = tpu.memref_slice %arg9[%add3A_601, %dma_start3A_609] : memref<50x32xf32, #tpu.memory_space<vmem>> -> memref<1x32xf32, #tpu.memory_space<vmem>>
      %dma_start3A_611 = tpu.memref_squeeze %dma_start3A_610 : memref<1x32xf32, #tpu.memory_space<vmem>> -> memref<32xf32, #tpu.memory_space<vmem>>
      %dma_start3A_612 = tpu.memref_slice %arg7[%add3A_601, %mul3A_36] : memref<50x128xi32, #tpu.memory_space<vmem>> -> memref<1x32xi32, #tpu.memory_space<vmem>>
      %dma_start3A_613 = tpu.memref_squeeze %dma_start3A_612 : memref<1x32xi32, #tpu.memory_space<vmem>> -> memref<32xi32, #tpu.memory_space<vmem>>
      %dma_start3A_614 = arith.constant 0 : i32
      %dma_start3A_615 = tpu.memref_slice %arg2[%dma_start3A_614] : memref<102400xf32, #tpu.memory_space<hbm>> -> memref<102400xf32, #tpu.memory_space<hbm>>
      tpu.enqueue_indirect_dma source(%dma_start3A_615 : memref<102400xf32, #tpu.memory_space<hbm>>) target(%dma_start3A_611 : memref<32xf32, #tpu.memory_space<vmem>>) offsets(%dma_start3A_613 : memref<32xi32, #tpu.memory_space<vmem>>) semaphore(%arg12 : memref<!tpu.dma_semaphore, #tpu.memory_space<semaphore_mem>>)
      %scan3A_616 = arith.constant 7 : i32
      %scan3A_617 = arith.addi %scan3A_477, %scan3A_616 : i32
      %mul3A_618 = arith.constant 1 : i32
      %mul3A_619 = arith.muli %scan3A_617, %mul3A_618 : i32
      %add3A_620 = arith.constant 0 : i32
      %add3A_621 = arith.addi %add3A_620, %mul3A_619 : i32
      %dma_start3A_622 = arith.constant 0 : i32
      %dma_start3A_623 = tpu.memref_slice %arg8[%add3A_621, %dma_start3A_622] : memref<50x32xf32, #tpu.memory_space<vmem>> -> memref<1x32xf32, #tpu.memory_space<vmem>>
      %dma_start3A_624 = tpu.memref_squeeze %dma_start3A_623 : memref<1x32xf32, #tpu.memory_space<vmem>> -> memref<32xf32, #tpu.memory_space<vmem>>
      %dma_start3A_625 = tpu.memref_slice %arg6[%add3A_621, %mul3A_36] : memref<50x128xi32, #tpu.memory_space<vmem>> -> memref<1x32xi32, #tpu.memory_space<vmem>>
      %dma_start3A_626 = tpu.memref_squeeze %dma_start3A_625 : memref<1x32xi32, #tpu.memory_space<vmem>> -> memref<32xi32, #tpu.memory_space<vmem>>
      %dma_start3A_627 = arith.constant 0 : i32
      %dma_start3A_628 = tpu.memref_slice %arg2[%dma_start3A_627] : memref<102400xf32, #tpu.memory_space<hbm>> -> memref<102400xf32, #tpu.memory_space<hbm>>
      tpu.enqueue_indirect_dma source(%dma_start3A_628 : memref<102400xf32, #tpu.memory_space<hbm>>) target(%dma_start3A_624 : memref<32xf32, #tpu.memory_space<vmem>>) offsets(%dma_start3A_626 : memref<32xi32, #tpu.memory_space<vmem>>) semaphore(%arg12 : memref<!tpu.dma_semaphore, #tpu.memory_space<semaphore_mem>>)
      %dma_start3A_629 = arith.constant 0 : i32
      %dma_start3A_630 = tpu.memref_slice %arg9[%add3A_621, %dma_start3A_629] : memref<50x32xf32, #tpu.memory_space<vmem>> -> memref<1x32xf32, #tpu.memory_space<vmem>>
      %dma_start3A_631 = tpu.memref_squeeze %dma_start3A_630 : memref<1x32xf32, #tpu.memory_space<vmem>> -> memref<32xf32, #tpu.memory_space<vmem>>
      %dma_start3A_632 = tpu.memref_slice %arg7[%add3A_621, %mul3A_36] : memref<50x128xi32, #tpu.memory_space<vmem>> -> memref<1x32xi32, #tpu.memory_space<vmem>>
      %dma_start3A_633 = tpu.memref_squeeze %dma_start3A_632 : memref<1x32xi32, #tpu.memory_space<vmem>> -> memref<32xi32, #tpu.memory_space<vmem>>
      %dma_start3A_634 = arith.constant 0 : i32
      %dma_start3A_635 = tpu.memref_slice %arg2[%dma_start3A_634] : memref<102400xf32, #tpu.memory_space<hbm>> -> memref<102400xf32, #tpu.memory_space<hbm>>
      tpu.enqueue_indirect_dma source(%dma_start3A_635 : memref<102400xf32, #tpu.memory_space<hbm>>) target(%dma_start3A_631 : memref<32xf32, #tpu.memory_space<vmem>>) offsets(%dma_start3A_633 : memref<32xi32, #tpu.memory_space<vmem>>) semaphore(%arg12 : memref<!tpu.dma_semaphore, #tpu.memory_space<semaphore_mem>>)
      %scan3A_636 = arith.constant 8 : i32
      %scan3A_637 = arith.addi %scan3A_477, %scan3A_636 : i32
      %mul3A_638 = arith.constant 1 : i32
      %mul3A_639 = arith.muli %scan3A_637, %mul3A_638 : i32
      %add3A_640 = arith.constant 0 : i32
      %add3A_641 = arith.addi %add3A_640, %mul3A_639 : i32
      %dma_start3A_642 = arith.constant 0 : i32
      %dma_start3A_643 = tpu.memref_slice %arg8[%add3A_641, %dma_start3A_642] : memref<50x32xf32, #tpu.memory_space<vmem>> -> memref<1x32xf32, #tpu.memory_space<vmem>>
      %dma_start3A_644 = tpu.memref_squeeze %dma_start3A_643 : memref<1x32xf32, #tpu.memory_space<vmem>> -> memref<32xf32, #tpu.memory_space<vmem>>
      %dma_start3A_645 = tpu.memref_slice %arg6[%add3A_641, %mul3A_36] : memref<50x128xi32, #tpu.memory_space<vmem>> -> memref<1x32xi32, #tpu.memory_space<vmem>>
      %dma_start3A_646 = tpu.memref_squeeze %dma_start3A_645 : memref<1x32xi32, #tpu.memory_space<vmem>> -> memref<32xi32, #tpu.memory_space<vmem>>
      %dma_start3A_647 = arith.constant 0 : i32
      %dma_start3A_648 = tpu.memref_slice %arg2[%dma_start3A_647] : memref<102400xf32, #tpu.memory_space<hbm>> -> memref<102400xf32, #tpu.memory_space<hbm>>
      tpu.enqueue_indirect_dma source(%dma_start3A_648 : memref<102400xf32, #tpu.memory_space<hbm>>) target(%dma_start3A_644 : memref<32xf32, #tpu.memory_space<vmem>>) offsets(%dma_start3A_646 : memref<32xi32, #tpu.memory_space<vmem>>) semaphore(%arg12 : memref<!tpu.dma_semaphore, #tpu.memory_space<semaphore_mem>>)
      %dma_start3A_649 = arith.constant 0 : i32
      %dma_start3A_650 = tpu.memref_slice %arg9[%add3A_641, %dma_start3A_649] : memref<50x32xf32, #tpu.memory_space<vmem>> -> memref<1x32xf32, #tpu.memory_space<vmem>>
      %dma_start3A_651 = tpu.memref_squeeze %dma_start3A_650 : memref<1x32xf32, #tpu.memory_space<vmem>> -> memref<32xf32, #tpu.memory_space<vmem>>
      %dma_start3A_652 = tpu.memref_slice %arg7[%add3A_641, %mul3A_36] : memref<50x128xi32, #tpu.memory_space<vmem>> -> memref<1x32xi32, #tpu.memory_space<vmem>>
      %dma_start3A_653 = tpu.memref_squeeze %dma_start3A_652 : memref<1x32xi32, #tpu.memory_space<vmem>> -> memref<32xi32, #tpu.memory_space<vmem>>
      %dma_start3A_654 = arith.constant 0 : i32
      %dma_start3A_655 = tpu.memref_slice %arg2[%dma_start3A_654] : memref<102400xf32, #tpu.memory_space<hbm>> -> memref<102400xf32, #tpu.memory_space<hbm>>
      tpu.enqueue_indirect_dma source(%dma_start3A_655 : memref<102400xf32, #tpu.memory_space<hbm>>) target(%dma_start3A_651 : memref<32xf32, #tpu.memory_space<vmem>>) offsets(%dma_start3A_653 : memref<32xi32, #tpu.memory_space<vmem>>) semaphore(%arg12 : memref<!tpu.dma_semaphore, #tpu.memory_space<semaphore_mem>>)
      %scan3A_656 = arith.constant 9 : i32
      %scan3A_657 = arith.addi %scan3A_477, %scan3A_656 : i32
      %mul3A_658 = arith.constant 1 : i32
      %mul3A_659 = arith.muli %scan3A_657, %mul3A_658 : i32
      %add3A_660 = arith.constant 0 : i32
      %add3A_661 = arith.addi %add3A_660, %mul3A_659 : i32
      %dma_start3A_662 = arith.constant 0 : i32
      %dma_start3A_663 = tpu.memref_slice %arg8[%add3A_661, %dma_start3A_662] : memref<50x32xf32, #tpu.memory_space<vmem>> -> memref<1x32xf32, #tpu.memory_space<vmem>>
      %dma_start3A_664 = tpu.memref_squeeze %dma_start3A_663 : memref<1x32xf32, #tpu.memory_space<vmem>> -> memref<32xf32, #tpu.memory_space<vmem>>
      %dma_start3A_665 = tpu.memref_slice %arg6[%add3A_661, %mul3A_36] : memref<50x128xi32, #tpu.memory_space<vmem>> -> memref<1x32xi32, #tpu.memory_space<vmem>>
      %dma_start3A_666 = tpu.memref_squeeze %dma_start3A_665 : memref<1x32xi32, #tpu.memory_space<vmem>> -> memref<32xi32, #tpu.memory_space<vmem>>
      %dma_start3A_667 = arith.constant 0 : i32
      %dma_start3A_668 = tpu.memref_slice %arg2[%dma_start3A_667] : memref<102400xf32, #tpu.memory_space<hbm>> -> memref<102400xf32, #tpu.memory_space<hbm>>
      tpu.enqueue_indirect_dma source(%dma_start3A_668 : memref<102400xf32, #tpu.memory_space<hbm>>) target(%dma_start3A_664 : memref<32xf32, #tpu.memory_space<vmem>>) offsets(%dma_start3A_666 : memref<32xi32, #tpu.memory_space<vmem>>) semaphore(%arg12 : memref<!tpu.dma_semaphore, #tpu.memory_space<semaphore_mem>>)
      %dma_start3A_669 = arith.constant 0 : i32
      %dma_start3A_670 = tpu.memref_slice %arg9[%add3A_661, %dma_start3A_669] : memref<50x32xf32, #tpu.memory_space<vmem>> -> memref<1x32xf32, #tpu.memory_space<vmem>>
      %dma_start3A_671 = tpu.memref_squeeze %dma_start3A_670 : memref<1x32xf32, #tpu.memory_space<vmem>> -> memref<32xf32, #tpu.memory_space<vmem>>
      %dma_start3A_672 = tpu.memref_slice %arg7[%add3A_661, %mul3A_36] : memref<50x128xi32, #tpu.memory_space<vmem>> -> memref<1x32xi32, #tpu.memory_space<vmem>>
      %dma_start3A_673 = tpu.memref_squeeze %dma_start3A_672 : memref<1x32xi32, #tpu.memory_space<vmem>> -> memref<32xi32, #tpu.memory_space<vmem>>
      %dma_start3A_674 = arith.constant 0 : i32
      %dma_start3A_675 = tpu.memref_slice %arg2[%dma_start3A_674] : memref<102400xf32, #tpu.memory_space<hbm>> -> memref<102400xf32, #tpu.memory_space<hbm>>
      tpu.enqueue_indirect_dma source(%dma_start3A_675 : memref<102400xf32, #tpu.memory_space<hbm>>) target(%dma_start3A_671 : memref<32xf32, #tpu.memory_space<vmem>>) offsets(%dma_start3A_673 : memref<32xi32, #tpu.memory_space<vmem>>) semaphore(%arg12 : memref<!tpu.dma_semaphore, #tpu.memory_space<semaphore_mem>>)
    }
    %scan3A_54 = arith.constant 50 : i32
    %dma_wait3A_55 = arith.constant 0 : i32
    %dma_wait3A_56 = tpu.memref_slice %arg2[%dma_wait3A_55] : memref<102400xf32, #tpu.memory_space<hbm>> -> memref<3200xf32, #tpu.memory_space<hbm>>
    %dma_wait3A_57 = arith.constant 0 : i32
    %dma_wait3A_58 = tpu.memref_slice %arg2[%dma_wait3A_57] : memref<102400xf32, #tpu.memory_space<hbm>> -> memref<3200xf32, #tpu.memory_space<hbm>>
    tpu.wait_dma2 semaphore(%arg12 : memref<!tpu.dma_semaphore, #tpu.memory_space<semaphore_mem>>) src(%dma_wait3A_58 : memref<3200xf32, #tpu.memory_space<hbm>>) dst(%arg10 : memref<3200xf32, #tpu.memory_space<vmem>>)
    %broadcast_in_dim3A = arith.constant 0.000000e+00 : f32
    %broadcast_in_dim3A_59 = vector.broadcast %broadcast_in_dim3A : f32 to vector<16xf32>
    %scan3A_60 = arith.constant 0 : i32
    %scan3A_61 = arith.constant 50 : i32
    %scan3A_62 = arith.addi %scan3A_60, %scan3A_61 : i32
    %scan3A_63 = arith.constant 1 : i32
    %scan3A_64:3 = scf.for %scan3A_477 = %scan3A_60 to %scan3A_62 step %scan3A_63 iter_args(%scan3A_478 = %broadcast_in_dim3A_59, %scan3A_479 = %broadcast_in_dim3A_59, %scan3A_480 = %broadcast_in_dim3A_59) -> (vector<16xf32>, vector<16xf32>, vector<16xf32>)  : i32 {
      %get3A = arith.index_cast %scan3A_477 : i32 to index
      %get3A_481 = arith.constant 0 : index
      %get3A_482 = tpu.vector_load %arg8[%get3A, %get3A_481] {strides = array<i32>} : memref<50x32xf32, #tpu.memory_space<vmem>>, vector<1x16xf32>,
      %get3A_483 = vector.shape_cast %get3A_482 : vector<1x16xf32> to vector<16xf32>
      %get3A_484 = arith.index_cast %scan3A_477 : i32 to index
      %get3A_485 = arith.constant 0 : index
      %get3A_486 = tpu.vector_load %arg9[%get3A_484, %get3A_485] {strides = array<i32>} : memref<50x32xf32, #tpu.memory_space<vmem>>, vector<1x16xf32>,
      %get3A_487 = vector.shape_cast %get3A_486 : vector<1x16xf32> to vector<16xf32>
      %mul3A_488 = arith.mulf %get3A_483, %get3A_487 : vector<16xf32>
      %add3A_489 = arith.addf %scan3A_478, %mul3A_488 : vector<16xf32>
      %mul3A_490 = arith.mulf %get3A_483, %get3A_483 : vector<16xf32>
      %add3A_491 = arith.addf %scan3A_479, %mul3A_490 : vector<16xf32>
      %mul3A_492 = arith.mulf %get3A_487, %get3A_487 : vector<16xf32>
      %add3A_493 = arith.addf %scan3A_480, %mul3A_492 : vector<16xf32>
      scf.yield %add3A_489, %add3A_491, %add3A_493 : vector<16xf32>, vector<16xf32>, vector<16xf32>
    }
    %scan3A_65 = arith.constant 50 : i32
    %max3A = arith.constant 1.000000e-16 : f32
    %max3A_66 = vector.broadcast %max3A : f32 to vector<16xf32>
    %max3A_67 = arith.maximumf %scan3A_64#1, %max3A_66 : vector<16xf32>
    %max3A_68 = arith.constant 1.000000e-16 : f32
    %max3A_69 = vector.broadcast %max3A_68 : f32 to vector<16xf32>
    %max3A_70 = arith.maximumf %scan3A_64#2, %max3A_69 : vector<16xf32>
    %mul3A_71 = arith.mulf %max3A_67, %max3A_70 : vector<16xf32>
    %broadcast_in_dim3A_72 = arith.constant 1.000000e+00 : f32
    %broadcast_in_dim3A_73 = vector.broadcast %broadcast_in_dim3A_72 : f32 to vector<16xf32>
    %ge3A = arith.constant 1.84467441E+19 : f32
    %ge3A_74 = vector.broadcast %ge3A : f32 to vector<16xf32>
    %ge3A_75 = arith.cmpf oge, %mul3A_71, %ge3A_74 : vector<16xf32>
    %mul3A_76 = arith.constant 5.42101086E-20 : f32
    %mul3A_77 = vector.broadcast %mul3A_76 : f32 to vector<16xf32>
    %mul3A_78 = arith.mulf %mul3A_71, %mul3A_77 : vector<16xf32>
    %select_n3A_79 = arith.select %ge3A_75, %mul3A_78, %mul3A_71 : vector<16xi1>, vector<16xf32>
    %mul3A_80 = arith.constant 2.32830644E-10 : f32
    %mul3A_81 = vector.broadcast %mul3A_80 : f32 to vector<16xf32>
    %mul3A_82 = arith.mulf %broadcast_in_dim3A_73, %mul3A_81 : vector<16xf32>
    %select_n3A_83 = arith.select %ge3A_75, %mul3A_82, %broadcast_in_dim3A_73 : vector<16xi1>, vector<16xf32>
    %ge3A_84 = arith.constant 4.2949673E+9 : f32
    %ge3A_85 = vector.broadcast %ge3A_84 : f32 to vector<16xf32>
    %ge3A_86 = arith.cmpf oge, %select_n3A_79, %ge3A_85 : vector<16xf32>
    %mul3A_87 = arith.constant 2.32830644E-10 : f32
    %mul3A_88 = vector.broadcast %mul3A_87 : f32 to vector<16xf32>
    %mul3A_89 = arith.mulf %select_n3A_79, %mul3A_88 : vector<16xf32>
    %select_n3A_90 = arith.select %ge3A_86, %mul3A_89, %select_n3A_79 : vector<16xi1>, vector<16xf32>
    %mul3A_91 = arith.constant 1.52587891E-5 : f32
    %mul3A_92 = vector.broadcast %mul3A_91 : f32 to vector<16xf32>
    %mul3A_93 = arith.mulf %select_n3A_83, %mul3A_92 : vector<16xf32>
    %select_n3A_94 = arith.select %ge3A_86, %mul3A_93, %select_n3A_83 : vector<16xi1>, vector<16xf32>
    %ge3A_95 = arith.constant 6.553600e+04 : f32
    %ge3A_96 = vector.broadcast %ge3A_95 : f32 to vector<16xf32>
    %ge3A_97 = arith.cmpf oge, %select_n3A_90, %ge3A_96 : vector<16xf32>
    %mul3A_98 = arith.constant 1.52587891E-5 : f32
    %mul3A_99 = vector.broadcast %mul3A_98 : f32 to vector<16xf32>
    %mul3A_100 = arith.mulf %select_n3A_90, %mul3A_99 : vector<16xf32>
    %select_n3A_101 = arith.select %ge3A_97, %mul3A_100, %select_n3A_90 : vector<16xi1>, vector<16xf32>
    %mul3A_102 = arith.constant 3.906250e-03 : f32
    %mul3A_103 = vector.broadcast %mul3A_102 : f32 to vector<16xf32>
    %mul3A_104 = arith.mulf %select_n3A_94, %mul3A_103 : vector<16xf32>
    %select_n3A_105 = arith.select %ge3A_97, %mul3A_104, %select_n3A_94 : vector<16xi1>, vector<16xf32>
    %ge3A_106 = arith.constant 2.560000e+02 : f32
    %ge3A_107 = vector.broadcast %ge3A_106 : f32 to vector<16xf32>
    %ge3A_108 = arith.cmpf oge, %select_n3A_101, %ge3A_107 : vector<16xf32>
    %mul3A_109 = arith.constant 3.906250e-03 : f32
    %mul3A_110 = vector.broadcast %mul3A_109 : f32 to vector<16xf32>
    %mul3A_111 = arith.mulf %select_n3A_101, %mul3A_110 : vector<16xf32>
    %select_n3A_112 = arith.select %ge3A_108, %mul3A_111, %select_n3A_101 : vector<16xi1>, vector<16xf32>
    %mul3A_113 = arith.constant 6.250000e-02 : f32
    %mul3A_114 = vector.broadcast %mul3A_113 : f32 to vector<16xf32>
    %mul3A_115 = arith.mulf %select_n3A_105, %mul3A_114 : vector<16xf32>
    %select_n3A_116 = arith.select %ge3A_108, %mul3A_115, %select_n3A_105 : vector<16xi1>, vector<16xf32>
    %ge3A_117 = arith.constant 1.600000e+01 : f32
    %ge3A_118 = vector.broadcast %ge3A_117 : f32 to vector<16xf32>
    %ge3A_119 = arith.cmpf oge, %select_n3A_112, %ge3A_118 : vector<16xf32>
    %mul3A_120 = arith.constant 6.250000e-02 : f32
    %mul3A_121 = vector.broadcast %mul3A_120 : f32 to vector<16xf32>
    %mul3A_122 = arith.mulf %select_n3A_112, %mul3A_121 : vector<16xf32>
    %select_n3A_123 = arith.select %ge3A_119, %mul3A_122, %select_n3A_112 : vector<16xi1>, vector<16xf32>
    %mul3A_124 = arith.constant 2.500000e-01 : f32
    %mul3A_125 = vector.broadcast %mul3A_124 : f32 to vector<16xf32>
    %mul3A_126 = arith.mulf %select_n3A_116, %mul3A_125 : vector<16xf32>
    %select_n3A_127 = arith.select %ge3A_119, %mul3A_126, %select_n3A_116 : vector<16xi1>, vector<16xf32>
    %ge3A_128 = arith.constant 4.000000e+00 : f32
    %ge3A_129 = vector.broadcast %ge3A_128 : f32 to vector<16xf32>
    %ge3A_130 = arith.cmpf oge, %select_n3A_123, %ge3A_129 : vector<16xf32>
    %mul3A_131 = arith.constant 2.500000e-01 : f32
    %mul3A_132 = vector.broadcast %mul3A_131 : f32 to vector<16xf32>
    %mul3A_133 = arith.mulf %select_n3A_123, %mul3A_132 : vector<16xf32>
    %select_n3A_134 = arith.select %ge3A_130, %mul3A_133, %select_n3A_123 : vector<16xi1>, vector<16xf32>
    %mul3A_135 = arith.constant 5.000000e-01 : f32
    %mul3A_136 = vector.broadcast %mul3A_135 : f32 to vector<16xf32>
    %mul3A_137 = arith.mulf %select_n3A_127, %mul3A_136 : vector<16xf32>
    %select_n3A_138 = arith.select %ge3A_130, %mul3A_137, %select_n3A_127 : vector<16xi1>, vector<16xf32>
    %lt3A_139 = arith.constant 2.16840434E-19 : f32
    %lt3A_140 = vector.broadcast %lt3A_139 : f32 to vector<16xf32>
    %lt3A_141 = arith.cmpf olt, %select_n3A_134, %lt3A_140 : vector<16xf32>
    %mul3A_142 = arith.constant 1.84467441E+19 : f32
    %mul3A_143 = vector.broadcast %mul3A_142 : f32 to vector<16xf32>
    %mul3A_144 = arith.mulf %select_n3A_134, %mul3A_143 : vector<16xf32>
    %select_n3A_145 = arith.select %lt3A_141, %mul3A_144, %select_n3A_134 : vector<16xi1>, vector<16xf32>
    %mul3A_146 = arith.constant 4.2949673E+9 : f32
    %mul3A_147 = vector.broadcast %mul3A_146 : f32 to vector<16xf32>
    %mul3A_148 = arith.mulf %select_n3A_138, %mul3A_147 : vector<16xf32>
    %select_n3A_149 = arith.select %lt3A_141, %mul3A_148, %select_n3A_138 : vector<16xi1>, vector<16xf32>
    %lt3A_150 = arith.constant 9.31322574E-10 : f32
    %lt3A_151 = vector.broadcast %lt3A_150 : f32 to vector<16xf32>
    %lt3A_152 = arith.cmpf olt, %select_n3A_145, %lt3A_151 : vector<16xf32>
    %mul3A_153 = arith.constant 4.2949673E+9 : f32
    %mul3A_154 = vector.broadcast %mul3A_153 : f32 to vector<16xf32>
    %mul3A_155 = arith.mulf %select_n3A_145, %mul3A_154 : vector<16xf32>
    %select_n3A_156 = arith.select %lt3A_152, %mul3A_155, %select_n3A_145 : vector<16xi1>, vector<16xf32>
    %mul3A_157 = arith.constant 6.553600e+04 : f32
    %mul3A_158 = vector.broadcast %mul3A_157 : f32 to vector<16xf32>
    %mul3A_159 = arith.mulf %select_n3A_149, %mul3A_158 : vector<16xf32>
    %select_n3A_160 = arith.select %lt3A_152, %mul3A_159, %select_n3A_149 : vector<16xi1>, vector<16xf32>
    %lt3A_161 = arith.constant 6.10351563E-5 : f32
    %lt3A_162 = vector.broadcast %lt3A_161 : f32 to vector<16xf32>
    %lt3A_163 = arith.cmpf olt, %select_n3A_156, %lt3A_162 : vector<16xf32>
    %mul3A_164 = arith.constant 6.553600e+04 : f32
    %mul3A_165 = vector.broadcast %mul3A_164 : f32 to vector<16xf32>
    %mul3A_166 = arith.mulf %select_n3A_156, %mul3A_165 : vector<16xf32>
    %select_n3A_167 = arith.select %lt3A_163, %mul3A_166, %select_n3A_156 : vector<16xi1>, vector<16xf32>
    %mul3A_168 = arith.constant 2.560000e+02 : f32
    %mul3A_169 = vector.broadcast %mul3A_168 : f32 to vector<16xf32>
    %mul3A_170 = arith.mulf %select_n3A_160, %mul3A_169 : vector<16xf32>
    %select_n3A_171 = arith.select %lt3A_163, %mul3A_170, %select_n3A_160 : vector<16xi1>, vector<16xf32>
    %lt3A_172 = arith.constant 1.562500e-02 : f32
    %lt3A_173 = vector.broadcast %lt3A_172 : f32 to vector<16xf32>
    %lt3A_174 = arith.cmpf olt, %select_n3A_167, %lt3A_173 : vector<16xf32>
    %mul3A_175 = arith.constant 2.560000e+02 : f32
    %mul3A_176 = vector.broadcast %mul3A_175 : f32 to vector<16xf32>
    %mul3A_177 = arith.mulf %select_n3A_167, %mul3A_176 : vector<16xf32>
    %select_n3A_178 = arith.select %lt3A_174, %mul3A_177, %select_n3A_167 : vector<16xi1>, vector<16xf32>
    %mul3A_179 = arith.constant 1.600000e+01 : f32
    %mul3A_180 = vector.broadcast %mul3A_179 : f32 to vector<16xf32>
    %mul3A_181 = arith.mulf %select_n3A_171, %mul3A_180 : vector<16xf32>
    %select_n3A_182 = arith.select %lt3A_174, %mul3A_181, %select_n3A_171 : vector<16xi1>, vector<16xf32>
    %lt3A_183 = arith.constant 2.500000e-01 : f32
    %lt3A_184 = vector.broadcast %lt3A_183 : f32 to vector<16xf32>
    %lt3A_185 = arith.cmpf olt, %select_n3A_178, %lt3A_184 : vector<16xf32>
    %mul3A_186 = arith.constant 1.600000e+01 : f32
    %mul3A_187 = vector.broadcast %mul3A_186 : f32 to vector<16xf32>
    %mul3A_188 = arith.mulf %select_n3A_178, %mul3A_187 : vector<16xf32>
    %select_n3A_189 = arith.select %lt3A_185, %mul3A_188, %select_n3A_178 : vector<16xi1>, vector<16xf32>
    %mul3A_190 = arith.constant 4.000000e+00 : f32
    %mul3A_191 = vector.broadcast %mul3A_190 : f32 to vector<16xf32>
    %mul3A_192 = arith.mulf %select_n3A_182, %mul3A_191 : vector<16xf32>
    %select_n3A_193 = arith.select %lt3A_185, %mul3A_192, %select_n3A_182 : vector<16xi1>, vector<16xf32>
    %lt3A_194 = arith.constant 1.000000e+00 : f32
    %lt3A_195 = vector.broadcast %lt3A_194 : f32 to vector<16xf32>
    %lt3A_196 = arith.cmpf olt, %select_n3A_189, %lt3A_195 : vector<16xf32>
    %mul3A_197 = arith.constant 4.000000e+00 : f32
    %mul3A_198 = vector.broadcast %mul3A_197 : f32 to vector<16xf32>
    %mul3A_199 = arith.mulf %select_n3A_189, %mul3A_198 : vector<16xf32>
    %select_n3A_200 = arith.select %lt3A_196, %mul3A_199, %select_n3A_189 : vector<16xi1>, vector<16xf32>
    %mul3A_201 = arith.constant 2.000000e+00 : f32
    %mul3A_202 = vector.broadcast %mul3A_201 : f32 to vector<16xf32>
    %mul3A_203 = arith.mulf %select_n3A_193, %mul3A_202 : vector<16xf32>
    %select_n3A_204 = arith.select %lt3A_196, %mul3A_203, %select_n3A_193 : vector<16xi1>, vector<16xf32>
    %mul3A_205 = arith.constant 4.583000e-01 : f32
    %mul3A_206 = vector.broadcast %mul3A_205 : f32 to vector<16xf32>
    %mul3A_207 = arith.mulf %mul3A_206, %select_n3A_200 : vector<16xf32>
    %sub3A_208 = arith.constant 1.400000e+00 : f32
    %sub3A_209 = vector.broadcast %sub3A_208 : f32 to vector<16xf32>
    %sub3A_210 = arith.subf %sub3A_209, %mul3A_207 : vector<16xf32>
    %mul3A_211 = arith.constant 5.830000e-02 : f32
    %mul3A_212 = vector.broadcast %mul3A_211 : f32 to vector<16xf32>
    %mul3A_213 = arith.mulf %mul3A_212, %select_n3A_200 : vector<16xf32>
    %mul3A_214 = arith.mulf %mul3A_213, %select_n3A_200 : vector<16xf32>
    %add3A_215 = arith.addf %sub3A_210, %mul3A_214 : vector<16xf32>
    %mul3A_216 = arith.constant 5.000000e-01 : f32
    %mul3A_217 = vector.broadcast %mul3A_216 : f32 to vector<16xf32>
    %mul3A_218 = arith.mulf %mul3A_217, %select_n3A_200 : vector<16xf32>
    %mul3A_219 = arith.mulf %mul3A_218, %add3A_215 : vector<16xf32>
    %mul3A_220 = arith.mulf %mul3A_219, %add3A_215 : vector<16xf32>
    %sub3A_221 = arith.constant 1.500000e+00 : f32
    %sub3A_222 = vector.broadcast %sub3A_221 : f32 to vector<16xf32>
    %sub3A_223 = arith.subf %sub3A_222, %mul3A_220 : vector<16xf32>
    %mul3A_224 = arith.mulf %add3A_215, %sub3A_223 : vector<16xf32>
    %mul3A_225 = arith.constant 5.000000e-01 : f32
    %mul3A_226 = vector.broadcast %mul3A_225 : f32 to vector<16xf32>
    %mul3A_227 = arith.mulf %mul3A_226, %select_n3A_200 : vector<16xf32>
    %mul3A_228 = arith.mulf %mul3A_227, %mul3A_224 : vector<16xf32>
    %mul3A_229 = arith.mulf %mul3A_228, %mul3A_224 : vector<16xf32>
    %sub3A_230 = arith.constant 1.500000e+00 : f32
    %sub3A_231 = vector.broadcast %sub3A_230 : f32 to vector<16xf32>
    %sub3A_232 = arith.subf %sub3A_231, %mul3A_229 : vector<16xf32>
    %mul3A_233 = arith.mulf %mul3A_224, %sub3A_232 : vector<16xf32>
    %mul3A_234 = arith.constant 5.000000e-01 : f32
    %mul3A_235 = vector.broadcast %mul3A_234 : f32 to vector<16xf32>
    %mul3A_236 = arith.mulf %mul3A_235, %select_n3A_200 : vector<16xf32>
    %mul3A_237 = arith.mulf %mul3A_236, %mul3A_233 : vector<16xf32>
    %mul3A_238 = arith.mulf %mul3A_237, %mul3A_233 : vector<16xf32>
    %sub3A_239 = arith.constant 1.500000e+00 : f32
    %sub3A_240 = vector.broadcast %sub3A_239 : f32 to vector<16xf32>
    %sub3A_241 = arith.subf %sub3A_240, %mul3A_238 : vector<16xf32>
    %mul3A_242 = arith.mulf %mul3A_233, %sub3A_241 : vector<16xf32>
    %mul3A_243 = arith.constant 5.000000e-01 : f32
    %mul3A_244 = vector.broadcast %mul3A_243 : f32 to vector<16xf32>
    %mul3A_245 = arith.mulf %mul3A_244, %select_n3A_200 : vector<16xf32>
    %mul3A_246 = arith.mulf %mul3A_245, %mul3A_242 : vector<16xf32>
    %mul3A_247 = arith.mulf %mul3A_246, %mul3A_242 : vector<16xf32>
    %sub3A_248 = arith.constant 1.500000e+00 : f32
    %sub3A_249 = vector.broadcast %sub3A_248 : f32 to vector<16xf32>
    %sub3A_250 = arith.subf %sub3A_249, %mul3A_247 : vector<16xf32>
    %mul3A_251 = arith.mulf %mul3A_242, %sub3A_250 : vector<16xf32>
    %mul3A_252 = arith.mulf %mul3A_251, %select_n3A_204 : vector<16xf32>
    %mul3A_253 = arith.mulf %scan3A_64#0, %mul3A_252 : vector<16xf32>
    %neg3A = arith.constant 0.000000e+00 : f32
    %neg3A_254 = vector.broadcast %neg3A : f32 to vector<16xf32>
    %neg3A_255 = arith.subf %neg3A_254, %mul3A_253 : vector<16xf32>
    %exp3A = math.exp %neg3A_255 : vector<16xf32>
    %add3A_256 = arith.constant 1.000000e+00 : f32
    %add3A_257 = vector.broadcast %add3A_256 : f32 to vector<16xf32>
    %add3A_258 = arith.addf %add3A_257, %exp3A : vector<16xf32>
    %div3A_259 = arith.constant 1.000000e+00 : f32
    %div3A_260 = vector.broadcast %div3A_259 : f32 to vector<16xf32>
    %div3A_261 = arith.divf %div3A_260, %add3A_258 : vector<16xf32>
    %swap3A = arith.constant 0 : index
    %swap3A_262 = tpu.vector_load %arg11[%swap3A] {strides = array<i32>} : memref<32xf32, #tpu.memory_space<vmem>>, vector<16xf32>,
    %swap3A_263 = vector.shape_cast %swap3A_262 : vector<16xf32> to vector<16xf32>
    %swap3A_264 = vector.shape_cast %div3A_261 : vector<16xf32> to vector<16xf32>
    tpu.vector_store %arg11[%swap3A], %swap3A_264 {strides = array<i32>} : memref<32xf32, #tpu.memory_space<vmem>>, vector<16xf32>,
    %broadcast_in_dim3A_265 = arith.constant 0.000000e+00 : f32
    %broadcast_in_dim3A_266 = vector.broadcast %broadcast_in_dim3A_265 : f32 to vector<16xf32>
    %scan3A_267 = arith.constant 0 : i32
    %scan3A_268 = arith.constant 50 : i32
    %scan3A_269 = arith.addi %scan3A_267, %scan3A_268 : i32
    %scan3A_270 = arith.constant 1 : i32
    %scan3A_271:3 = scf.for %scan3A_477 = %scan3A_267 to %scan3A_269 step %scan3A_270 iter_args(%scan3A_478 = %broadcast_in_dim3A_266, %scan3A_479 = %broadcast_in_dim3A_266, %scan3A_480 = %broadcast_in_dim3A_266) -> (vector<16xf32>, vector<16xf32>, vector<16xf32>)  : i32 {
      %get3A = arith.index_cast %scan3A_477 : i32 to index
      %get3A_481 = arith.constant 16 : index
      %get3A_482 = tpu.vector_load %arg8[%get3A, %get3A_481] {strides = array<i32>} : memref<50x32xf32, #tpu.memory_space<vmem>>, vector<1x16xf32>,
      %get3A_483 = vector.shape_cast %get3A_482 : vector<1x16xf32> to vector<16xf32>
      %get3A_484 = arith.index_cast %scan3A_477 : i32 to index
      %get3A_485 = arith.constant 16 : index
      %get3A_486 = tpu.vector_load %arg9[%get3A_484, %get3A_485] {strides = array<i32>} : memref<50x32xf32, #tpu.memory_space<vmem>>, vector<1x16xf32>,
      %get3A_487 = vector.shape_cast %get3A_486 : vector<1x16xf32> to vector<16xf32>
      %mul3A_488 = arith.mulf %get3A_483, %get3A_487 : vector<16xf32>
      %add3A_489 = arith.addf %scan3A_478, %mul3A_488 : vector<16xf32>
      %mul3A_490 = arith.mulf %get3A_483, %get3A_483 : vector<16xf32>
      %add3A_491 = arith.addf %scan3A_479, %mul3A_490 : vector<16xf32>
      %mul3A_492 = arith.mulf %get3A_487, %get3A_487 : vector<16xf32>
      %add3A_493 = arith.addf %scan3A_480, %mul3A_492 : vector<16xf32>
      scf.yield %add3A_489, %add3A_491, %add3A_493 : vector<16xf32>, vector<16xf32>, vector<16xf32>
    }
    %scan3A_272 = arith.constant 50 : i32
    %max3A_273 = arith.constant 1.000000e-16 : f32
    %max3A_274 = vector.broadcast %max3A_273 : f32 to vector<16xf32>
    %max3A_275 = arith.maximumf %scan3A_271#1, %max3A_274 : vector<16xf32>
    %max3A_276 = arith.constant 1.000000e-16 : f32
    %max3A_277 = vector.broadcast %max3A_276 : f32 to vector<16xf32>
    %max3A_278 = arith.maximumf %scan3A_271#2, %max3A_277 : vector<16xf32>
    %mul3A_279 = arith.mulf %max3A_275, %max3A_278 : vector<16xf32>
    %broadcast_in_dim3A_280 = arith.constant 1.000000e+00 : f32
    %broadcast_in_dim3A_281 = vector.broadcast %broadcast_in_dim3A_280 : f32 to vector<16xf32>
    %ge3A_282 = arith.constant 1.84467441E+19 : f32
    %ge3A_283 = vector.broadcast %ge3A_282 : f32 to vector<16xf32>
    %ge3A_284 = arith.cmpf oge, %mul3A_279, %ge3A_283 : vector<16xf32>
    %mul3A_285 = arith.constant 5.42101086E-20 : f32
    %mul3A_286 = vector.broadcast %mul3A_285 : f32 to vector<16xf32>
    %mul3A_287 = arith.mulf %mul3A_279, %mul3A_286 : vector<16xf32>
    %select_n3A_288 = arith.select %ge3A_284, %mul3A_287, %mul3A_279 : vector<16xi1>, vector<16xf32>
    %mul3A_289 = arith.constant 2.32830644E-10 : f32
    %mul3A_290 = vector.broadcast %mul3A_289 : f32 to vector<16xf32>
    %mul3A_291 = arith.mulf %broadcast_in_dim3A_281, %mul3A_290 : vector<16xf32>
    %select_n3A_292 = arith.select %ge3A_284, %mul3A_291, %broadcast_in_dim3A_281 : vector<16xi1>, vector<16xf32>
    %ge3A_293 = arith.constant 4.2949673E+9 : f32
    %ge3A_294 = vector.broadcast %ge3A_293 : f32 to vector<16xf32>
    %ge3A_295 = arith.cmpf oge, %select_n3A_288, %ge3A_294 : vector<16xf32>
    %mul3A_296 = arith.constant 2.32830644E-10 : f32
    %mul3A_297 = vector.broadcast %mul3A_296 : f32 to vector<16xf32>
    %mul3A_298 = arith.mulf %select_n3A_288, %mul3A_297 : vector<16xf32>
    %select_n3A_299 = arith.select %ge3A_295, %mul3A_298, %select_n3A_288 : vector<16xi1>, vector<16xf32>
    %mul3A_300 = arith.constant 1.52587891E-5 : f32
    %mul3A_301 = vector.broadcast %mul3A_300 : f32 to vector<16xf32>
    %mul3A_302 = arith.mulf %select_n3A_292, %mul3A_301 : vector<16xf32>
    %select_n3A_303 = arith.select %ge3A_295, %mul3A_302, %select_n3A_292 : vector<16xi1>, vector<16xf32>
    %ge3A_304 = arith.constant 6.553600e+04 : f32
    %ge3A_305 = vector.broadcast %ge3A_304 : f32 to vector<16xf32>
    %ge3A_306 = arith.cmpf oge, %select_n3A_299, %ge3A_305 : vector<16xf32>
    %mul3A_307 = arith.constant 1.52587891E-5 : f32
    %mul3A_308 = vector.broadcast %mul3A_307 : f32 to vector<16xf32>
    %mul3A_309 = arith.mulf %select_n3A_299, %mul3A_308 : vector<16xf32>
    %select_n3A_310 = arith.select %ge3A_306, %mul3A_309, %select_n3A_299 : vector<16xi1>, vector<16xf32>
    %mul3A_311 = arith.constant 3.906250e-03 : f32
    %mul3A_312 = vector.broadcast %mul3A_311 : f32 to vector<16xf32>
    %mul3A_313 = arith.mulf %select_n3A_303, %mul3A_312 : vector<16xf32>
    %select_n3A_314 = arith.select %ge3A_306, %mul3A_313, %select_n3A_303 : vector<16xi1>, vector<16xf32>
    %ge3A_315 = arith.constant 2.560000e+02 : f32
    %ge3A_316 = vector.broadcast %ge3A_315 : f32 to vector<16xf32>
    %ge3A_317 = arith.cmpf oge, %select_n3A_310, %ge3A_316 : vector<16xf32>
    %mul3A_318 = arith.constant 3.906250e-03 : f32
    %mul3A_319 = vector.broadcast %mul3A_318 : f32 to vector<16xf32>
    %mul3A_320 = arith.mulf %select_n3A_310, %mul3A_319 : vector<16xf32>
    %select_n3A_321 = arith.select %ge3A_317, %mul3A_320, %select_n3A_310 : vector<16xi1>, vector<16xf32>
    %mul3A_322 = arith.constant 6.250000e-02 : f32
    %mul3A_323 = vector.broadcast %mul3A_322 : f32 to vector<16xf32>
    %mul3A_324 = arith.mulf %select_n3A_314, %mul3A_323 : vector<16xf32>
    %select_n3A_325 = arith.select %ge3A_317, %mul3A_324, %select_n3A_314 : vector<16xi1>, vector<16xf32>
    %ge3A_326 = arith.constant 1.600000e+01 : f32
    %ge3A_327 = vector.broadcast %ge3A_326 : f32 to vector<16xf32>
    %ge3A_328 = arith.cmpf oge, %select_n3A_321, %ge3A_327 : vector<16xf32>
    %mul3A_329 = arith.constant 6.250000e-02 : f32
    %mul3A_330 = vector.broadcast %mul3A_329 : f32 to vector<16xf32>
    %mul3A_331 = arith.mulf %select_n3A_321, %mul3A_330 : vector<16xf32>
    %select_n3A_332 = arith.select %ge3A_328, %mul3A_331, %select_n3A_321 : vector<16xi1>, vector<16xf32>
    %mul3A_333 = arith.constant 2.500000e-01 : f32
    %mul3A_334 = vector.broadcast %mul3A_333 : f32 to vector<16xf32>
    %mul3A_335 = arith.mulf %select_n3A_325, %mul3A_334 : vector<16xf32>
    %select_n3A_336 = arith.select %ge3A_328, %mul3A_335, %select_n3A_325 : vector<16xi1>, vector<16xf32>
    %ge3A_337 = arith.constant 4.000000e+00 : f32
    %ge3A_338 = vector.broadcast %ge3A_337 : f32 to vector<16xf32>
    %ge3A_339 = arith.cmpf oge, %select_n3A_332, %ge3A_338 : vector<16xf32>
    %mul3A_340 = arith.constant 2.500000e-01 : f32
    %mul3A_341 = vector.broadcast %mul3A_340 : f32 to vector<16xf32>
    %mul3A_342 = arith.mulf %select_n3A_332, %mul3A_341 : vector<16xf32>
    %select_n3A_343 = arith.select %ge3A_339, %mul3A_342, %select_n3A_332 : vector<16xi1>, vector<16xf32>
    %mul3A_344 = arith.constant 5.000000e-01 : f32
    %mul3A_345 = vector.broadcast %mul3A_344 : f32 to vector<16xf32>
    %mul3A_346 = arith.mulf %select_n3A_336, %mul3A_345 : vector<16xf32>
    %select_n3A_347 = arith.select %ge3A_339, %mul3A_346, %select_n3A_336 : vector<16xi1>, vector<16xf32>
    %lt3A_348 = arith.constant 2.16840434E-19 : f32
    %lt3A_349 = vector.broadcast %lt3A_348 : f32 to vector<16xf32>
    %lt3A_350 = arith.cmpf olt, %select_n3A_343, %lt3A_349 : vector<16xf32>
    %mul3A_351 = arith.constant 1.84467441E+19 : f32
    %mul3A_352 = vector.broadcast %mul3A_351 : f32 to vector<16xf32>
    %mul3A_353 = arith.mulf %select_n3A_343, %mul3A_352 : vector<16xf32>
    %select_n3A_354 = arith.select %lt3A_350, %mul3A_353, %select_n3A_343 : vector<16xi1>, vector<16xf32>
    %mul3A_355 = arith.constant 4.2949673E+9 : f32
    %mul3A_356 = vector.broadcast %mul3A_355 : f32 to vector<16xf32>
    %mul3A_357 = arith.mulf %select_n3A_347, %mul3A_356 : vector<16xf32>
    %select_n3A_358 = arith.select %lt3A_350, %mul3A_357, %select_n3A_347 : vector<16xi1>, vector<16xf32>
    %lt3A_359 = arith.constant 9.31322574E-10 : f32
    %lt3A_360 = vector.broadcast %lt3A_359 : f32 to vector<16xf32>
    %lt3A_361 = arith.cmpf olt, %select_n3A_354, %lt3A_360 : vector<16xf32>
    %mul3A_362 = arith.constant 4.2949673E+9 : f32
    %mul3A_363 = vector.broadcast %mul3A_362 : f32 to vector<16xf32>
    %mul3A_364 = arith.mulf %select_n3A_354, %mul3A_363 : vector<16xf32>
    %select_n3A_365 = arith.select %lt3A_361, %mul3A_364, %select_n3A_354 : vector<16xi1>, vector<16xf32>
    %mul3A_366 = arith.constant 6.553600e+04 : f32
    %mul3A_367 = vector.broadcast %mul3A_366 : f32 to vector<16xf32>
    %mul3A_368 = arith.mulf %select_n3A_358, %mul3A_367 : vector<16xf32>
    %select_n3A_369 = arith.select %lt3A_361, %mul3A_368, %select_n3A_358 : vector<16xi1>, vector<16xf32>
    %lt3A_370 = arith.constant 6.10351563E-5 : f32
    %lt3A_371 = vector.broadcast %lt3A_370 : f32 to vector<16xf32>
    %lt3A_372 = arith.cmpf olt, %select_n3A_365, %lt3A_371 : vector<16xf32>
    %mul3A_373 = arith.constant 6.553600e+04 : f32
    %mul3A_374 = vector.broadcast %mul3A_373 : f32 to vector<16xf32>
    %mul3A_375 = arith.mulf %select_n3A_365, %mul3A_374 : vector<16xf32>
    %select_n3A_376 = arith.select %lt3A_372, %mul3A_375, %select_n3A_365 : vector<16xi1>, vector<16xf32>
    %mul3A_377 = arith.constant 2.560000e+02 : f32
    %mul3A_378 = vector.broadcast %mul3A_377 : f32 to vector<16xf32>
    %mul3A_379 = arith.mulf %select_n3A_369, %mul3A_378 : vector<16xf32>
    %select_n3A_380 = arith.select %lt3A_372, %mul3A_379, %select_n3A_369 : vector<16xi1>, vector<16xf32>
    %lt3A_381 = arith.constant 1.562500e-02 : f32
    %lt3A_382 = vector.broadcast %lt3A_381 : f32 to vector<16xf32>
    %lt3A_383 = arith.cmpf olt, %select_n3A_376, %lt3A_382 : vector<16xf32>
    %mul3A_384 = arith.constant 2.560000e+02 : f32
    %mul3A_385 = vector.broadcast %mul3A_384 : f32 to vector<16xf32>
    %mul3A_386 = arith.mulf %select_n3A_376, %mul3A_385 : vector<16xf32>
    %select_n3A_387 = arith.select %lt3A_383, %mul3A_386, %select_n3A_376 : vector<16xi1>, vector<16xf32>
    %mul3A_388 = arith.constant 1.600000e+01 : f32
    %mul3A_389 = vector.broadcast %mul3A_388 : f32 to vector<16xf32>
    %mul3A_390 = arith.mulf %select_n3A_380, %mul3A_389 : vector<16xf32>
    %select_n3A_391 = arith.select %lt3A_383, %mul3A_390, %select_n3A_380 : vector<16xi1>, vector<16xf32>
    %lt3A_392 = arith.constant 2.500000e-01 : f32
    %lt3A_393 = vector.broadcast %lt3A_392 : f32 to vector<16xf32>
    %lt3A_394 = arith.cmpf olt, %select_n3A_387, %lt3A_393 : vector<16xf32>
    %mul3A_395 = arith.constant 1.600000e+01 : f32
    %mul3A_396 = vector.broadcast %mul3A_395 : f32 to vector<16xf32>
    %mul3A_397 = arith.mulf %select_n3A_387, %mul3A_396 : vector<16xf32>
    %select_n3A_398 = arith.select %lt3A_394, %mul3A_397, %select_n3A_387 : vector<16xi1>, vector<16xf32>
    %mul3A_399 = arith.constant 4.000000e+00 : f32
    %mul3A_400 = vector.broadcast %mul3A_399 : f32 to vector<16xf32>
    %mul3A_401 = arith.mulf %select_n3A_391, %mul3A_400 : vector<16xf32>
    %select_n3A_402 = arith.select %lt3A_394, %mul3A_401, %select_n3A_391 : vector<16xi1>, vector<16xf32>
    %lt3A_403 = arith.constant 1.000000e+00 : f32
    %lt3A_404 = vector.broadcast %lt3A_403 : f32 to vector<16xf32>
    %lt3A_405 = arith.cmpf olt, %select_n3A_398, %lt3A_404 : vector<16xf32>
    %mul3A_406 = arith.constant 4.000000e+00 : f32
    %mul3A_407 = vector.broadcast %mul3A_406 : f32 to vector<16xf32>
    %mul3A_408 = arith.mulf %select_n3A_398, %mul3A_407 : vector<16xf32>
    %select_n3A_409 = arith.select %lt3A_405, %mul3A_408, %select_n3A_398 : vector<16xi1>, vector<16xf32>
    %mul3A_410 = arith.constant 2.000000e+00 : f32
    %mul3A_411 = vector.broadcast %mul3A_410 : f32 to vector<16xf32>
    %mul3A_412 = arith.mulf %select_n3A_402, %mul3A_411 : vector<16xf32>
    %select_n3A_413 = arith.select %lt3A_405, %mul3A_412, %select_n3A_402 : vector<16xi1>, vector<16xf32>
    %mul3A_414 = arith.constant 4.583000e-01 : f32
    %mul3A_415 = vector.broadcast %mul3A_414 : f32 to vector<16xf32>
    %mul3A_416 = arith.mulf %mul3A_415, %select_n3A_409 : vector<16xf32>
    %sub3A_417 = arith.constant 1.400000e+00 : f32
    %sub3A_418 = vector.broadcast %sub3A_417 : f32 to vector<16xf32>
    %sub3A_419 = arith.subf %sub3A_418, %mul3A_416 : vector<16xf32>
    %mul3A_420 = arith.constant 5.830000e-02 : f32
    %mul3A_421 = vector.broadcast %mul3A_420 : f32 to vector<16xf32>
    %mul3A_422 = arith.mulf %mul3A_421, %select_n3A_409 : vector<16xf32>
    %mul3A_423 = arith.mulf %mul3A_422, %select_n3A_409 : vector<16xf32>
    %add3A_424 = arith.addf %sub3A_419, %mul3A_423 : vector<16xf32>
    %mul3A_425 = arith.constant 5.000000e-01 : f32
    %mul3A_426 = vector.broadcast %mul3A_425 : f32 to vector<16xf32>
    %mul3A_427 = arith.mulf %mul3A_426, %select_n3A_409 : vector<16xf32>
    %mul3A_428 = arith.mulf %mul3A_427, %add3A_424 : vector<16xf32>
    %mul3A_429 = arith.mulf %mul3A_428, %add3A_424 : vector<16xf32>
    %sub3A_430 = arith.constant 1.500000e+00 : f32
    %sub3A_431 = vector.broadcast %sub3A_430 : f32 to vector<16xf32>
    %sub3A_432 = arith.subf %sub3A_431, %mul3A_429 : vector<16xf32>
    %mul3A_433 = arith.mulf %add3A_424, %sub3A_432 : vector<16xf32>
    %mul3A_434 = arith.constant 5.000000e-01 : f32
    %mul3A_435 = vector.broadcast %mul3A_434 : f32 to vector<16xf32>
    %mul3A_436 = arith.mulf %mul3A_435, %select_n3A_409 : vector<16xf32>
    %mul3A_437 = arith.mulf %mul3A_436, %mul3A_433 : vector<16xf32>
    %mul3A_438 = arith.mulf %mul3A_437, %mul3A_433 : vector<16xf32>
    %sub3A_439 = arith.constant 1.500000e+00 : f32
    %sub3A_440 = vector.broadcast %sub3A_439 : f32 to vector<16xf32>
    %sub3A_441 = arith.subf %sub3A_440, %mul3A_438 : vector<16xf32>
    %mul3A_442 = arith.mulf %mul3A_433, %sub3A_441 : vector<16xf32>
    %mul3A_443 = arith.constant 5.000000e-01 : f32
    %mul3A_444 = vector.broadcast %mul3A_443 : f32 to vector<16xf32>
    %mul3A_445 = arith.mulf %mul3A_444, %select_n3A_409 : vector<16xf32>
    %mul3A_446 = arith.mulf %mul3A_445, %mul3A_442 : vector<16xf32>
    %mul3A_447 = arith.mulf %mul3A_446, %mul3A_442 : vector<16xf32>
    %sub3A_448 = arith.constant 1.500000e+00 : f32
    %sub3A_449 = vector.broadcast %sub3A_448 : f32 to vector<16xf32>
    %sub3A_450 = arith.subf %sub3A_449, %mul3A_447 : vector<16xf32>
    %mul3A_451 = arith.mulf %mul3A_442, %sub3A_450 : vector<16xf32>
    %mul3A_452 = arith.constant 5.000000e-01 : f32
    %mul3A_453 = vector.broadcast %mul3A_452 : f32 to vector<16xf32>
    %mul3A_454 = arith.mulf %mul3A_453, %select_n3A_409 : vector<16xf32>
    %mul3A_455 = arith.mulf %mul3A_454, %mul3A_451 : vector<16xf32>
    %mul3A_456 = arith.mulf %mul3A_455, %mul3A_451 : vector<16xf32>
    %sub3A_457 = arith.constant 1.500000e+00 : f32
    %sub3A_458 = vector.broadcast %sub3A_457 : f32 to vector<16xf32>
    %sub3A_459 = arith.subf %sub3A_458, %mul3A_456 : vector<16xf32>
    %mul3A_460 = arith.mulf %mul3A_451, %sub3A_459 : vector<16xf32>
    %mul3A_461 = arith.mulf %mul3A_460, %select_n3A_413 : vector<16xf32>
    %mul3A_462 = arith.mulf %scan3A_271#0, %mul3A_461 : vector<16xf32>
    %neg3A_463 = arith.constant 0.000000e+00 : f32
    %neg3A_464 = vector.broadcast %neg3A_463 : f32 to vector<16xf32>
    %neg3A_465 = arith.subf %neg3A_464, %mul3A_462 : vector<16xf32>
    %exp3A_466 = math.exp %neg3A_465 : vector<16xf32>
    %add3A_467 = arith.constant 1.000000e+00 : f32
    %add3A_468 = vector.broadcast %add3A_467 : f32 to vector<16xf32>
    %add3A_469 = arith.addf %add3A_468, %exp3A_466 : vector<16xf32>
    %div3A_470 = arith.constant 1.000000e+00 : f32
    %div3A_471 = vector.broadcast %div3A_470 : f32 to vector<16xf32>
    %div3A_472 = arith.divf %div3A_471, %add3A_469 : vector<16xf32>
    %swap3A_473 = arith.constant 16 : index
    %swap3A_474 = tpu.vector_load %arg11[%swap3A_473] {strides = array<i32>} : memref<32xf32, #tpu.memory_space<vmem>>, vector<16xf32>,
    %swap3A_475 = vector.shape_cast %swap3A_474 : vector<16xf32> to vector<16xf32>
    %swap3A_476 = vector.shape_cast %div3A_472 : vector<16xf32> to vector<16xf32>
    tpu.vector_store %arg11[%swap3A_473], %swap3A_476 {strides = array<i32>} : memref<32xf32, #tpu.memory_space<vmem>>, vector<16xf32>,
    "tpu.region"() ({
      %run_scoped3A = tpu.sem_alloc : memref<!tpu.dma_semaphore, #tpu.memory_space<semaphore_mem>>
      %dma_start3A_477 = tpu.memref_slice %arg5[%mul3A_2] : memref<1024xf32, #tpu.memory_space<hbm>> -> memref<32xf32, #tpu.memory_space<hbm>>
      %dma_start3A_478 = tpu.memref_slice %arg5[%mul3A_2] : memref<1024xf32, #tpu.memory_space<hbm>> -> memref<32xf32, #tpu.memory_space<hbm>>
      tpu.enqueue_dma source(%arg11 : memref<32xf32, #tpu.memory_space<vmem>>) target(%dma_start3A_478 : memref<32xf32, #tpu.memory_space<hbm>>) target_semaphore(%run_scoped3A : memref<!tpu.dma_semaphore, #tpu.memory_space<semaphore_mem>>)
      %dma_wait3A_479 = tpu.memref_slice %arg5[%mul3A_2] : memref<1024xf32, #tpu.memory_space<hbm>> -> memref<32xf32, #tpu.memory_space<hbm>>
      %dma_wait3A_480 = tpu.memref_slice %arg5[%mul3A_2] : memref<1024xf32, #tpu.memory_space<hbm>> -> memref<32xf32, #tpu.memory_space<hbm>>
      tpu.wait_dma2 semaphore(%run_scoped3A : memref<!tpu.dma_semaphore, #tpu.memory_space<semaphore_mem>>) src(%arg11 : memref<32xf32, #tpu.memory_space<vmem>>) dst(%dma_wait3A_480 : memref<32xf32, #tpu.memory_space<hbm>>)
      tpu.yield
    }) : () -> ()
    return
  }
}

module attributes {stable_mosaic.version = 14 : i64} {
  func.func @_proj_body(%arg0: i32, %arg1: memref<64x25600xf32, #tpu.memory_space<vmem>>, %arg2: memref<1x64xf32, #tpu.memory_space<vmem>>, %arg3: memref<1xf32, #tpu.memory_space<smem>>, %arg4: memref<25600xf32, #tpu.memory_space<vmem>>) attributes {dimension_semantics = [#tpu.dimension_semantics<arbitrary>], iteration_bounds = array<i64: 4>, scalar_prefetch = 0 : i64, scratch_operands = 0 : i64, tpu.core_type = #tpu.core_type<tc>, window_params = [{transform_indices = @transform_0, window_bounds = array<i64: 64, 25600>}, {pipeline_mode = #tpu.pipeline_mode<synchronous>, transform_indices = @transform_1, window_bounds = array<i64: 1, 64>}, {transform_indices = @transform_2, window_bounds = array<i64: 1>}, {transform_indices = @transform_3, window_bounds = array<i64: 25600>}]} {
    %get3A = arith.constant 0 : index
    %get3A_0 = arith.constant 0 : index
    %get3A_1 = vector.load %arg1[%get3A, %get3A_0] : memref<64x25600xf32, #tpu.memory_space<vmem>>, vector<64x25600xf32>
    %get3A_2 = arith.constant 0 : index
    %get3A_3 = arith.constant 0 : index
    %get3A_4 = vector.load %arg2[%get3A_2, %get3A_3] : memref<1x64xf32, #tpu.memory_space<vmem>>, vector<1x64xf32>
    %dot_general3A = arith.constant dense<0.000000e+00> : vector<1x25600xf32>
    %dot_general3A_5 = tpu.matmul %get3A_4, %get3A_1, %dot_general3A {dimension_numbers = #tpu.dot_dimension_numbers<[1], [0], [0], [1], [0, 0, 1, 1], [], []>, transpose_lhs_hint = false} : vector<1x64xf32>, vector<64x25600xf32>, vector<1x25600xf32> -> vector<1x25600xf32>
    %squeeze3A = vector.shape_cast %dot_general3A_5 : vector<1x25600xf32> to vector<25600xf32>
    %get3A_6 = arith.constant 0 : index
    %get3A_7 = memref.load %arg3[%get3A_6] : memref<1xf32, #tpu.memory_space<smem>>
    %add3A = vector.broadcast %get3A_7 : f32 to vector<25600xf32>
    %add3A_8 = arith.addf %squeeze3A, %add3A : vector<25600xf32>
    %swap3A = arith.constant 0 : index
    %swap3A_9 = vector.load %arg4[%swap3A] : memref<25600xf32, #tpu.memory_space<vmem>>, vector<25600xf32>
    tpu.vector_store %arg4[%swap3A], %add3A_8 {strides = array<i32>} : memref<25600xf32, #tpu.memory_space<vmem>>, vector<25600xf32>,
    return
  }
  func.func @transform_0(%arg0: i32) -> (i32, i32) {
    %c0_i32 = arith.constant 0 : i32
    %c0_i32_0 = arith.constant 0 : i32
    return %c0_i32, %arg0 : i32, i32
  }
  func.func @transform_1(%arg0: i32) -> (i32, i32) {
    %c0_i32 = arith.constant 0 : i32
    %c0_i32_0 = arith.constant 0 : i32
    %c0_i32_1 = arith.constant 0 : i32
    return %c0_i32, %c0_i32_0 : i32, i32
  }
  func.func @transform_2(%arg0: i32) -> i32 {
    %c0_i32 = arith.constant 0 : i32
    %c0_i32_0 = arith.constant 0 : i32
    return %c0_i32 : i32
  }
  func.func @transform_3(%arg0: i32) -> i32 {
    %c0_i32 = arith.constant 0 : i32
    return %arg0 : i32
  }
}

</mosaic_0001>

<sc_bundles>
// kernel: kernel.4.cloned.1.call-start
scs
__scs_entry_jumppad:
0x0: {  	(pc) =	sbr.rel $0x88, $3  }
0x1: {  	(tag) =	ssettag $0x0;
	lr =	simm.s32 $0x1  }
0x2: {  	[smem:$0x3F9C] =	sst lr;
	_ =	strace $0xD0000000  }
0x3: {  	_ = 	snop  }
0x4: {  	_ = 	snop  }
0x5: {  	_ = 	snop  }
0x6: {  	_ = 	snop  }
0x7: {  	_ = 	snop  }
__scs_overlays_trampoline_lowered:
0x8: {  	[smem:$0x3FAB] =	sst s0  }
0x9: {  	[smem:$0x3FAC] =	sst s1  }
0xa: {  	[smem:$0x3FAD] =	sst s2  }
0xb: {  	[smem:$0x3FAE] =	sst s3  }
0xc: {  	[smem:$0x3FAF] =	sst s4  }
0xd: {  	[smem:$0x3FB0] =	sst s5  }
0xe: {  	[smem:$0x3FB1] =	sst s6  }
0xf: {  	[smem:$0x3FB2] =	sst s7  }
0x10: {  	[smem:$0x3FB3] =	sst s8  }
0x11: {  	[smem:$0x3FB4] =	sst s9;
	s0 =	simm.s32 @!p0 $0x0  }
0x12: {  	s1 =	sld [smem:$0x3F9A];
	s0 =	simm.s32 @p0 $0x1  }
0x13: {  	[smem:$0x3FB5] =	sst s0;
	s0 =	simm.s32 @!p1 $0x0  }
0x14: {  	s2 =	sld [smem:$0x3F99];
	s0 =	simm.s32 @p1 $0x1  }
0x15: {  	[smem:$0x3FB6] =	sst s0;
	s0 =	simm.s32 @!p2 $0x0  }
0x16: {  	s3 =	sld [smem:$0x3FDB];
	s0 =	simm.s32 @p2 $0x1  }
0x17: {  	s4 =	simm.s32 $0x1BF5;
	[smem:$0x3FB8] =	sst s0  }
0x18: {  	s0 =	sld [smem:$0x3F9B];
	_ =	swait.ge [sflag:s4], $0x0  }
0x19: {  	s7 =	sld [smem:$0x3F9C]  }
0x1a: {  	s8 =	sadd.s32 $0xFFFFE003, lr  }
0x1b: {  	s9 =	sadd.s32 $0xFFFFFEF7, lr;
	s5 =	simm.s32 $0xFFFFFFFF;
	p2 =	slt.u32 s8, $0xFFFFF086  }
0x1c: {  	p1 =	slt.u32 s9, $0xF7A;
	s5 =	simm.s32 @!p2 $0x0  }
0x1d: {  	s5 =	simm.s32 @p1 $0x1;
	p0 =	seq.s32 s7, s2  }
0x1e: {  	s7 =	smul.u32 @!p0 $0xF7A, s2;
	p2 =	seq.s32 @!p0 s5, $0x0  }
0x1f: {  	s9 =	smul.u32 $0xF7A, s1;
	s8 =	simm.s32 @!p0 $0x1BF5;
	p2 =	por !p2, p0  }
0x20: {  	[sflag:s8] =	ssyncset.s32 @!p0 $0xFFFFF086;
	s6 =	sadd.s32 @!p0 s3, s7;
	s7 =	simm.s32 @!p0 $0x108  }
0x21: {  	s3 =	sadd.s32 s3, s9;
	s6 =	sadd.s32 @!p0 $0x88, s6;
	s7 =	simm.s32 @p2 $0x1082  }
0x22: {  	[simem:s7], [sflag:s8] =	dma.local @!p0 [hbm:s6], $0xF7A  }
0x23: {  	s9 =	sor.u32 $0xD0000000, s2;
	s6 =	simm.s32 $0x108;
	_ =	swait.ge @!p0 [sflag:s8], $0x0  }
0x24: {  	s3 =	sadd.s32 $0x88, s3;
	s6 =	simm.s32 @!p1 $0x1082;
	[sflag:s4] =	ssyncset.s32 $0xFFFFF086  }
0x25: {  	[simem:s6], [sflag:s4] =	dma.local [hbm:s3], $0xF7A  }
0x26: {  	[smem:$0x3F9C] =	sst s1;
	(tag) =	ssettag s2;
	_ =	strace s9  }
0x27: {  	s1 =	sld [smem:$0x3FAC]  }
0x28: {  	s2 =	sld [smem:$0x3FAD]  }
0x29: {  	s4 =	sld [smem:$0x3FAF]  }
0x2a: {  	p0 =	seq.s32 s5, $0x0;
	s5 =	sld [smem:$0x3FB0]  }
0x2b: {  	s6 =	sld [smem:$0x3FB1]  }
0x2c: {  	s7 =	sld [smem:$0x3FB2]  }
0x2d: {  	s3 =	simm.s32 $0x108;
	s8 =	sld [smem:$0x3FB3]  }
0x2e: {  	s3 =	simm.s32 @!p0 $0x1082;
	s9 =	sld [smem:$0x3FB4]  }
0x2f: {  	lr =	sadd.s32 s0, s3;
	s0 =	sld [smem:$0x3FAB]  }
0x30: {  	s3 =	sld [smem:$0x3FAE]  }
0x31: {  	[smem:$0x3FB7] =	sst s10  }
0x32: {  	s10 =	sld [smem:$0x3FB5];
	_ =	sdelay $0x3  }
0x33: {  	p0 =	seq.s32 s10, $0x1;
	s10 =	sld [smem:$0x3FB7];
	_ =	sdelay $0x3  }
0x34: {  	[smem:$0x3FB7] =	sst s10  }
0x35: {  	s10 =	sld [smem:$0x3FB6];
	_ =	sdelay $0x3  }
0x36: {  	p1 =	seq.s32 s10, $0x1;
	s10 =	sld [smem:$0x3FB7];
	_ =	sdelay $0x3  }
0x37: {  	[smem:$0x3FB7] =	sst s10  }
0x38: {  	s10 =	sld [smem:$0x3FB8]  }
0x39: {  	_ = 	snop;
	(pc) =	sbr.ind lr, $3  }
0x3a: {  	_ = 	snop  }
0x3b: {  	_ = 	snop  }
0x3c: {  	p2 =	seq.s32 s10, $0x1;
	s10 =	sld [smem:$0x3FB7]  }
0x3d: {  	_ =	shalt  }
0x3e: {  	_ =	shalt  }
0x3f: {  	_ =	shalt  }
0x40: {  	_ =	shalt  }
0x41: {  	_ =	shalt  }
0x42: {  	_ =	shalt  }
0x43: {  	_ =	shalt  }
0x44: {  	_ =	shalt  }
0x45: {  	_ =	shalt  }
0x46: {  	_ =	shalt  }
0x47: {  	_ =	shalt  }
0x48: {  	_ =	shalt  }
0x49: {  	_ =	shalt  }
0x4a: {  	_ =	shalt  }
0x4b: {  	_ =	shalt  }
0x4c: {  	_ =	shalt  }
0x4d: {  	_ =	shalt  }
0x4e: {  	_ =	shalt  }
0x4f: {  	_ =	shalt  }
0x50: {  	_ =	shalt  }
0x51: {  	_ =	shalt  }
0x52: {  	_ =	shalt  }
0x53: {  	_ =	shalt  }
0x54: {  	_ =	shalt  }
0x55: {  	_ =	shalt  }
0x56: {  	_ =	shalt  }
0x57: {  	_ =	shalt  }
0x58: {  	_ =	shalt  }
0x59: {  	_ =	shalt  }
0x5a: {  	_ =	shalt  }
0x5b: {  	_ =	shalt  }
0x5c: {  	_ =	shalt  }
0x5d: {  	_ =	shalt  }
0x5e: {  	_ =	shalt  }
0x5f: {  	_ =	shalt  }
0x60: {  	_ =	shalt  }
0x61: {  	_ =	shalt  }
0x62: {  	_ =	shalt  }
0x63: {  	_ =	shalt  }
0x64: {  	_ =	shalt  }
0x65: {  	_ =	shalt  }
0x66: {  	_ =	shalt  }
0x67: {  	_ =	shalt  }
0x68: {  	_ =	shalt  }
0x69: {  	_ =	shalt  }
0x6a: {  	_ =	shalt  }
0x6b: {  	_ =	shalt  }
0x6c: {  	_ =	shalt  }
0x6d: {  	_ =	shalt  }
0x6e: {  	_ =	shalt  }
0x6f: {  	_ =	shalt  }
0x70: {  	_ =	shalt  }
0x71: {  	_ =	shalt  }
0x72: {  	_ =	shalt  }
0x73: {  	_ =	shalt  }
0x74: {  	_ =	shalt  }
0x75: {  	_ =	shalt  }
0x76: {  	_ =	shalt  }
0x77: {  	_ =	shalt  }
0x78: {  	_ =	shalt  }
0x79: {  	_ =	shalt  }
0x7a: {  	_ =	shalt  }
0x7b: {  	_ =	shalt  }
0x7c: {  	_ =	shalt  }
0x7d: {  	_ =	shalt  }
0x7e: {  	_ =	shalt  }
0x7f: {  	_ =	shalt  }
0x80: {  	_ =	shalt  }
0x81: {  	_ =	shalt  }
0x82: {  	_ =	shalt  }
0x83: {  	_ =	shalt  }
0x84: {  	_ =	shalt  }
0x85: {  	_ =	shalt  }
0x86: {  	_ =	shalt  }
0x87: {  	_ =	shalt  }
.Lfunc_end0:
.L_simem_size_0:
called_computation_lowered:
.L_overlay_start_0:
0x88: {  	s2 =	sld [smem:$0x3FD9]  }
0x89: {  	s3 =	sld [smem:$0x3FFE];
	_ =	sdelay $0x1  }
0x8a: {  	s1 =	srdreg.scid  }
0x8b: {  	s0 =	sand.u32 $0x1, s1  }
0x8c: {  	s17 =	sshll.u32 s0, $0xA;
	s2 =	sadd.s32 s3, s2  }
0x8d: {  	s2 =	sadd.s32 s2, s17  }
0x8e: {  	[smem:$0x3FC3] =	sst s2  }
0x8f: {  	_ = 	snop  }
0x90: {  	s2 =	sld [smem:$0x3FC9]  }
0x91: {  	s18 =	sld [smem:$0x3FC8]  }
0x92: {  	s4 =	sld [smem:$0x3FD0];
	(tm) =	ssettm $0x1  }
0x93: {  	s5 =	sld [smem:$0x3FFB];
	_ =	sdelay $0x3  }
0x94: {  	_ =	strace s5  }
0x95: {  	s5 =	sld [smem:$0x3FFC];
	_ =	sdelay $0x3  }
0x96: {  	_ =	strace s5  }
0x97: {  	s5 =	sld [smem:$0x3FFD];
	_ =	sdelay $0x3  }
0x98: {  	_ =	strace s5  }
0x99: {  	_ =	strace $0x8FFFFFFF  }
0x9a: {  	s19 =	sld [smem:$0x3FDB];
	_ =	sdelay $0x1  }
0x9b: {  	s6 =	simm.s32 $_scs_section_size  }
0x9c: {  	s7 =	simm.s32 $_size__tile_overlayer_lowered;
	s8 =	simm.s32 $_tile_overlayer_lowered  }
0x9d: {  	s22 =	simm.s32 $0x1BFF;
	s21 =	sshll.u32 s8, $0x1;
	s5 =	sadd.s32 s6, s19  }
0x9e: {  	s9 =	simm.s32 $0x0;
	s20 =	sshll.u32 s7, $0x1;
	s7 =	sadd.s32 s21, s5  }
0x9f: {  	[timem:s9], [sflag:s22] =	dma.local [hbm:s7], s20  }
0xa0: {  	_ =	swait.ge [sflag:s22], s20  }
0xa1: {  	s6 =	ssub.s32 $0x0, s20;
	[sflag:s22] =	ssyncset.done $0x0  }
0xa2: {  	[sflag:s22] =	ssyncadd.s32 s6;
	_ =	sdelay $0x1  }
0xa3: {  	s23 =	simm.s32 $0x1B8B  }
0xa4: {  	_ =	swait.ge [sflag:s23], $0x1  }
0xa5: {  	[sflag:s23] =	ssyncset.done $0x0  }
0xa6: {  	s25 =	simm.s32 $0x1B8E;
	s24 =	sld [smem:$0x3FFE];
	[sflag:s23] =	ssyncadd.s32 $0xFFFFFFFF  }
0xa7: {  	s26 =	simm.s32 $execute0_lowered;
	[smem:$0x3FD2] =	sst s25  }
0xa8: {  	s7 =	sshll.u32 s26, $0x1;
	_ =	strace $0x80000046;
	[dreg:$0x1] =	wrdreg $0xFFFFFFFF  }
0xa9: {  	s28 =	simm.s32 $_size_execute0_lowered;
	s5 =	sadd.s32 s5, s7;
	[dreg:$0x0] =	wrdreg $0x0  }
0xaa: {  	s7 =	sshll.u32 s28, $0x1;
	[dreg:$0x2] =	wrdreg s5  }
0xab: {  	[dreg:$0x3] =	wrdreg s7  }
0xac: {  	[dreg:$0x4] =	wrdreg $0xC0  }
0xad: {  	_ =	task [dreg:s9], $0x5FFFF  }
0xae: {  	[dreg:$0x1] =	wrdreg $0xFFFFFFFF  }
0xaf: {  	[dreg:$0x0] =	wrdreg $0x60  }
0xb0: {  	[dreg:$0x2] =	wrdreg s24  }
0xb1: {  	[dreg:$0x3] =	wrdreg s2  }
0xb2: {  	[dreg:$0x4] =	wrdreg s18  }
0xb3: {  	[dreg:$0x5] =	wrdreg s4  }
0xb4: {  	[dreg:$0x6] =	wrdreg $0x9  }
0xb5: {  	_ =	task.clear_ibuf [dreg:s9], $0x7FFFF;
	_ =	strace $0x90000046  }
0xb6: {  	s29 =	simm.s32 $0x9;
	_ =	strace $0x80000048  }
0xb7: {  	_ =	swait.ge [sflag:s29], $0x1  }
0xb8: {  	[sflag:s29] =	ssyncadd.s32 $0xFFFFFFFF  }
0xb9: {  	_ =	strace $0x90000048  }
0xba: {  	_ =	sfence  }
0xbb: {  	s30 =	sld [smem:$0x0];
	_ =	sdelay $0x2  }
0xbc: {  	s31 =	sshll.u32 s1, $0xD;
	s1 =	sshrl.u32 s1, $0x2  }
0xbd: {  	s3 =	sand.u32 $0x4000, s31;
	s1 =	sadd.s32 s1, s30  }
0xbe: {  	s0 =	sor.u32 s3, s0;
	s1 =	sshll.u32 s1, $0x11  }
0xbf: {  	s0 =	sor.u32 s1, s0  }
0xc0: {  	s0 =	sadd.s32 $0x8F2B, s0  }
0xc1: {  	[sflag:s0] =	ssyncadd.remote.s32 $0x1  }
0xc2: {  	_ =	sfence.sel $0xFFFF  }
0xc3: {  	[dreg:$0x0] =	wrdreg $0xFFFFFFFF;
	(pc) =	sbr.abs _section_cstart, $3  }
0xc4: {  	[dreg:$0x1] =	wrdreg $0xFFFFFFFF  }
0xc5: {  	_ =	task.clear_ibuf [dreg:s9], $0x2FFFF;
	_ =	strace $0x9FFFFFFF  }
0xc6: {  	(tm) =	ssettm $0x7FFFFFFF  }
0xc7: {  	_ =	shalt  }
tec
execute0_lowered:
.L_overlay_start_1:
0x0: {  	(tag) =	ssettag $0x1  }
0x1: {  	s3 =	rddreg [dreg:$0x0]  }
0x2: {  	s4 =	rddreg [dreg:$0x1]  }
0x3: {  	s6 =	rddreg [dreg:$0x2]  }
0x4: {  	s9 =	rddreg [dreg:$0x3];
	s5 =	srdreg.scid  }
0x5: {  	s2 =	simm.s32 $0x0;
	s1 =	stileid.u32;
	s14 =	simm.s32 $0x1C00  }
0x6: {  	s15 =	simm.s32 $0x3400;
	s16 =	simm.s32 $0x2;
	s17 =	simm.s32 $0x20  }
0x7: {  	s18 =	simm.s32 $0x1;
	s19 =	simm.s32 $0x7000;
	s20 =	simm.s32 $0x3  }
0x8: {  	s21 =	simm.s32 $0x0;
	s7 =	sand.u32 $0x1, s5;
	[smem:$0x7FF] =	sst s2  }
0x9: {  	s8 =	sshll.u32 s1, $0x6;
	s3 =	sadd.s32 $0x800, s3;
	s12 =	sshll.u32 s1, $0x3  }
0xa: {  	s5 =	ssub.s32 $0x2, s7;
	_ =	strace $0x80000047;
	s11 =	sand.u32 $0x380, s8  }
0xb: {  	s29 =	sshll.u32 s7, $0x5;
	s13 =	sshll.u32 s7, $0x2;
	s10 =	sshrl.u32 s5, $0x1  }
0xc: {  	s4 =	sadd.s32 s4, s11;
	s6 =	sadd.s32 s6, s11;
	s8 =	sor.u32 s29, s8  }
0xd: {  	s30 =	sor.u32 s13, s12;
	s11 =	simm.s32 $0x400;
	s12 =	simm.s32 $0x2000  }
0xe: {  	s13 =	simm.s32 $0x1800;
	s10 =	ssub.s32 s5, s10;
	s8 =	sand.u32 $0x60, s8  }
0xf: {  	s5 =	sadd.s32 $0x1800, s4;
	s7 =	sadd.s32 $0x1800, s6;
	s31 =	sor.u32 $0x1C00, s8  }
0x10: {  	v0 =	vimm.f32 $1.000000000e+00;
	s9 =	sadd.s32 s9, s30;
	s10 =	smax.u32 s10, $0x1;
	[dreg:$0x5] =	wrdreg s31  }
.LBB2_1:
0x11: {  	[tilespmem:s2], [sflag:$0x2] =	stream.strided.gather [hbm4b:s4+s11], $0x1800, s12, s11, $0x38;
	[tilespmem:$0x7080] =	vst v63  }
0x12: {  	_ = 	snop  }
0x13: {  	[tilespmem:s13], [sflag:$0x2] =	stream.linear.gather [hbm4b:s5+s2], $0x100, $0x38;
	[tilespmem:$0x7080] =	vst v63  }
0x14: {  	_ = 	snop  }
0x15: {  	[tilespmem:s14], [sflag:$0x2] =	stream.strided.gather [hbm4b:s6+s11], $0x1800, s12, s11, $0x38;
	[tilespmem:$0x7080] =	vst v63  }
0x16: {  	_ = 	snop  }
0x17: {  	[tilespmem:s15], [sflag:$0x2] =	stream.linear.gather [hbm4b:s7+s2], $0x100, $0x38;
	[tilespmem:$0x7080] =	vst v63  }
0x18: {  	_ =	swait.ge [sflag:s16], $0x1900  }
0x19: {  	[sflag:s16] =	ssyncset.done $0x0  }
0x1a: {  	[sflag:s16] =	ssyncadd.s32 $0xFFFFE700  }
0x1b: {  	_ =	swait.ge [sflag:s16], $0x1900  }
0x1c: {  	s23 =	simm.s32 $0x3800;
	[sflag:s16] =	ssyncset.done $0x0  }
0x1d: {  	s24 =	sadd.s32 $0x0, s8;
	s22 =	rddreg [dreg:$0x5];
	[sflag:s16] =	ssyncadd.s32 $0xFFFFE700  }
0x1e: {  	[tilespmem:s23], [sflag:$0x1] =	stream.indirect.gather [hbm4b:s3+s17], $0x1, s24, s17, $0xb8;
	[tilespmem:$0x7080] =	vst v63  }
0x1f: {  	s26 =	simm.s32 $0x5400;
	s28 =	sadd.s32 $0x0, s22  }
0x20: {  	[tilespmem:s26], [sflag:$0x1] =	stream.indirect.gather [hbm4b:s3+s17], $0x1, s28, s17, $0xb8;
	[tilespmem:$0x7080] =	vst v63  }
0x21: {  	s29 =	simm.s32 $0x3880;
	s30 =	sadd.s32 $0x80, s24  }
0x22: {  	[tilespmem:s29], [sflag:$0x1] =	stream.indirect.gather [hbm4b:s3+s17], $0x1, s30, s17, $0xb8;
	[tilespmem:$0x7080] =	vst v63  }
0x23: {  	s31 =	simm.s32 $0x5480;
	s0 =	sadd.s32 $0x80, s28  }
0x24: {  	[tilespmem:s31], [sflag:$0x1] =	stream.indirect.gather [hbm4b:s3+s17], $0x1, s0, s17, $0xb8;
	[tilespmem:$0x7080] =	vst v63  }
0x25: {  	s25 =	simm.s32 $0x3900;
	s26 =	sadd.s32 $0x100, s24  }
0x26: {  	[tilespmem:s25], [sflag:$0x1] =	stream.indirect.gather [hbm4b:s3+s17], $0x1, s26, s17, $0xb8;
	[tilespmem:$0x7080] =	vst v63  }
0x27: {  	s29 =	simm.s32 $0x5500;
	s30 =	sadd.s32 $0x100, s28  }
0x28: {  	[tilespmem:s29], [sflag:$0x1] =	stream.indirect.gather [hbm4b:s3+s17], $0x1, s30, s17, $0xb8;
	[tilespmem:$0x7080] =	vst v63  }
0x29: {  	s31 =	simm.s32 $0x3980;
	s0 =	sadd.s32 $0x180, s24  }
0x2a: {  	[tilespmem:s31], [sflag:$0x1] =	stream.indirect.gather [hbm4b:s3+s17], $0x1, s0, s17, $0xb8;
	[tilespmem:$0x7080] =	vst v63  }
0x2b: {  	s25 =	simm.s32 $0x5580;
	s26 =	sadd.s32 $0x180, s28  }
0x2c: {  	[tilespmem:s25], [sflag:$0x1] =	stream.indirect.gather [hbm4b:s3+s17], $0x1, s26, s17, $0xb8;
	[tilespmem:$0x7080] =	vst v63  }
0x2d: {  	s29 =	simm.s32 $0x3A00;
	s30 =	sadd.s32 $0x200, s24  }
0x2e: {  	[tilespmem:s29], [sflag:$0x1] =	stream.indirect.gather [hbm4b:s3+s17], $0x1, s30, s17, $0xb8;
	[tilespmem:$0x7080] =	vst v63  }
0x2f: {  	s31 =	simm.s32 $0x5600;
	s0 =	sadd.s32 $0x200, s28  }
0x30: {  	[tilespmem:s31], [sflag:$0x1] =	stream.indirect.gather [hbm4b:s3+s17], $0x1, s0, s17, $0xb8;
	[tilespmem:$0x7080] =	vst v63  }
0x31: {  	s25 =	simm.s32 $0x3A80;
	s26 =	sadd.s32 $0x280, s24  }
0x32: {  	[tilespmem:s25], [sflag:$0x1] =	stream.indirect.gather [hbm4b:s3+s17], $0x1, s26, s17, $0xb8;
	[tilespmem:$0x7080] =	vst v63  }
0x33: {  	s29 =	simm.s32 $0x5680;
	s30 =	sadd.s32 $0x280, s28  }
0x34: {  	[tilespmem:s29], [sflag:$0x1] =	stream.indirect.gather [hbm4b:s3+s17], $0x1, s30, s17, $0xb8;
	[tilespmem:$0x7080] =	vst v63  }
0x35: {  	s31 =	simm.s32 $0x3B00;
	s0 =	sadd.s32 $0x300, s24  }
0x36: {  	[tilespmem:s31], [sflag:$0x1] =	stream.indirect.gather [hbm4b:s3+s17], $0x1, s0, s17, $0xb8;
	[tilespmem:$0x7080] =	vst v63  }
0x37: {  	s22 =	simm.s32 $0x500;
	s25 =	simm.s32 $0x5700;
	s26 =	sadd.s32 $0x300, s28  }
0x38: {  	[tilespmem:s25], [sflag:$0x1] =	stream.indirect.gather [hbm4b:s3+s17], $0x1, s26, s17, $0xb8;
	[tilespmem:$0x7080] =	vst v63  }
0x39: {  	s23 =	simm.s32 $0x3C00;
	s29 =	simm.s32 $0x3B80;
	s30 =	sadd.s32 $0x380, s24  }
0x3a: {  	[tilespmem:s29], [sflag:$0x1] =	stream.indirect.gather [hbm4b:s3+s17], $0x1, s30, s17, $0xb8;
	[tilespmem:$0x7080] =	vst v63  }
0x3b: {  	s31 =	simm.s32 $0x5780;
	s0 =	sadd.s32 $0x380, s28;
	s25 =	sadd.s32 $0x400, s24  }
0x3c: {  	[tilespmem:s31], [sflag:$0x1] =	stream.indirect.gather [hbm4b:s3+s17], $0x1, s0, s17, $0xb8;
	[tilespmem:$0x7080] =	vst v63  }
0x3d: {  	s26 =	simm.s32 $0x5800;
	s29 =	sadd.s32 $0x400, s28;
	s30 =	simm.s32 $0x3C80  }
0x3e: {  	[tilespmem:s23], [sflag:$0x1] =	stream.indirect.gather [hbm4b:s3+s17], $0x1, s25, s17, $0xb8;
	[tilespmem:$0x7080] =	vst v63  }
0x3f: {  	s28 =	sadd.s32 $0x480, s28;
	s31 =	sadd.s32 $0x480, s24;
	s24 =	simm.s32 $0x2800  }
0x40: {  	[tilespmem:s26], [sflag:$0x1] =	stream.indirect.gather [hbm4b:s3+s17], $0x1, s29, s17, $0xb8;
	[tilespmem:$0x7080] =	vst v63  }
0x41: {  	s23 =	simm.s32 $0xA;
	s25 =	rddreg [dreg:$0x5];
	s26 =	simm.s32 $0x5880  }
0x42: {  	[tilespmem:s30], [sflag:$0x1] =	stream.indirect.gather [hbm4b:s3+s17], $0x1, s31, s17, $0xb8;
	[tilespmem:$0x7080] =	vst v63  }
.LBB2_2:
0x43: {  	[tilespmem:s26], [sflag:$0x1] =	stream.indirect.gather [hbm4b:s3+s17], $0x1, s28, s17, $0xb8;
	[tilespmem:$0x7080] =	vst v63  }
0x44: {  	s28 =	sadd.s32 $0x3800, s22;
	s26 =	sadd.s32 s22, s8  }
0x45: {  	[tilespmem:s28], [sflag:$0x1] =	stream.indirect.gather [hbm4b:s3+s17], $0x1, s26, s17, $0xb8;
	[tilespmem:$0x7080] =	vst v63  }
0x46: {  	s29 =	sadd.s32 $0x5400, s22;
	s28 =	sadd.s32 s22, s25  }
0x47: {  	[tilespmem:s29], [sflag:$0x1] =	stream.indirect.gather [hbm4b:s3+s17], $0x1, s28, s17, $0xb8;
	[tilespmem:$0x7080] =	vst v63  }
0x48: {  	s0 =	sadd.s32 $0x3880, s22;
	s31 =	sadd.s32 $0x80, s26  }
0x49: {  	[tilespmem:s0], [sflag:$0x1] =	stream.indirect.gather [hbm4b:s3+s17], $0x1, s31, s17, $0xb8;
	[tilespmem:$0x7080] =	vst v63  }
0x4a: {  	s0 =	sadd.s32 $0x5480, s22;
	s31 =	sadd.s32 $0x80, s28  }
0x4b: {  	[tilespmem:s0], [sflag:$0x1] =	stream.indirect.gather [hbm4b:s3+s17], $0x1, s31, s17, $0xb8;
	[tilespmem:$0x7080] =	vst v63  }
0x4c: {  	s29 =	smov.u32 s22;
	s31 =	sadd.s32 $0x3900, s22;
	s0 =	sadd.s32 $0x100, s26  }
0x4d: {  	[tilespmem:s31], [sflag:$0x1] =	stream.indirect.gather [hbm4b:s3+s17], $0x1, s0, s17, $0xb8;
	[tilespmem:$0x7080] =	vst v63  }
0x4e: {  	s0 =	sadd.s32 $0x5500, s29;
	s31 =	sadd.s32 $0x100, s28  }
0x4f: {  	[tilespmem:s0], [sflag:$0x1] =	stream.indirect.gather [hbm4b:s3+s17], $0x1, s31, s17, $0xb8;
	[tilespmem:$0x7080] =	vst v63  }
0x50: {  	s0 =	sadd.s32 $0x3980, s29;
	s31 =	sadd.s32 $0x180, s26  }
0x51: {  	[tilespmem:s0], [sflag:$0x1] =	stream.indirect.gather [hbm4b:s3+s17], $0x1, s31, s17, $0xb8;
	[tilespmem:$0x7080] =	vst v63  }
0x52: {  	s0 =	sadd.s32 $0x5580, s29;
	s31 =	sadd.s32 $0x180, s28  }
0x53: {  	[tilespmem:s0], [sflag:$0x1] =	stream.indirect.gather [hbm4b:s3+s17], $0x1, s31, s17, $0xb8;
	[tilespmem:$0x7080] =	vst v63  }
0x54: {  	s0 =	sadd.s32 $0x3A00, s29;
	s31 =	sadd.s32 $0x200, s26  }
0x55: {  	[tilespmem:s0], [sflag:$0x1] =	stream.indirect.gather [hbm4b:s3+s17], $0x1, s31, s17, $0xb8;
	[tilespmem:$0x7080] =	vst v63  }
0x56: {  	s0 =	sadd.s32 $0x5600, s29;
	s31 =	sadd.s32 $0x200, s28  }
0x57: {  	[tilespmem:s0], [sflag:$0x1] =	stream.indirect.gather [hbm4b:s3+s17], $0x1, s31, s17, $0xb8;
	[tilespmem:$0x7080] =	vst v63  }
0x58: {  	s0 =	sadd.s32 $0x3A80, s29;
	s31 =	sadd.s32 $0x280, s26  }
0x59: {  	[tilespmem:s0], [sflag:$0x1] =	stream.indirect.gather [hbm4b:s3+s17], $0x1, s31, s17, $0xb8;
	[tilespmem:$0x7080] =	vst v63  }
0x5a: {  	s0 =	sadd.s32 $0x5680, s29;
	s31 =	sadd.s32 $0x280, s28  }
0x5b: {  	[tilespmem:s0], [sflag:$0x1] =	stream.indirect.gather [hbm4b:s3+s17], $0x1, s31, s17, $0xb8;
	[tilespmem:$0x7080] =	vst v63  }
0x5c: {  	s0 =	sadd.s32 $0x3B00, s29;
	s31 =	sadd.s32 $0x300, s26  }
0x5d: {  	[tilespmem:s0], [sflag:$0x1] =	stream.indirect.gather [hbm4b:s3+s17], $0x1, s31, s17, $0xb8;
	[tilespmem:$0x7080] =	vst v63  }
0x5e: {  	s30 =	sshra.s32 s24, $0x2;
	s0 =	sadd.s32 $0x5700, s29;
	s31 =	sadd.s32 $0x300, s28  }
0x5f: {  	[tilespmem:s0], [sflag:$0x1] =	stream.indirect.gather [hbm4b:s3+s17], $0x1, s31, s17, $0xb8;
	[tilespmem:$0x7080] =	vst v63  }
0x60: {  	s23 =	sadd.s32 $0xA, s23;
	s0 =	sadd.s32 $0x3B80, s29;
	s31 =	sadd.s32 $0x380, s26  }
0x61: {  	[tilespmem:s0], [sflag:$0x1] =	stream.indirect.gather [hbm4b:s3+s17], $0x1, s31, s17, $0xb8;
	[tilespmem:$0x7080] =	vst v63  }
0x62: {  	s24 =	sadd.s32 $0x1400, s24;
	s0 =	sadd.s32 $0x5780, s29;
	s31 =	sadd.s32 $0x380, s28  }
0x63: {  	[tilespmem:s0], [sflag:$0x1] =	stream.indirect.gather [hbm4b:s3+s17], $0x1, s31, s17, $0xb8;
	[tilespmem:$0x7080] =	vst v63  }
0x64: {  	p0 =	slt.u32 s23, $0x28;
	s0 =	sadd.s32 $0x3C00, s29;
	s31 =	sadd.s32 $0x400, s26  }
0x65: {  	[tilespmem:s0], [sflag:$0x1] =	stream.indirect.gather [hbm4b:s3+s17], $0x1, s31, s17, $0xb8;
	[tilespmem:$0x7080] =	vst v63  }
.Ltmp0:
0x66: {  	s0 =	sadd.s32 $0x5800, s29;
	s31 =	sadd.s32 $0x400, s28;
	(pc) =	sbr.rel @p0 .LBB2_2-.Ltmp0, $4  }
0x67: {  	[tilespmem:s0], [sflag:$0x1] =	stream.indirect.gather [hbm4b:s3+s17], $0x1, s31, s17, $0xb8;
	[tilespmem:$0x7080] =	vst v63  }
0x68: {  	s25 =	rddreg [dreg:$0x5];
	s26 =	sadd.s32 $0x480, s26;
	s31 =	sadd.s32 $0x3C80, s29  }
0x69: {  	[tilespmem:s31], [sflag:$0x1] =	stream.indirect.gather [hbm4b:s3+s17], $0x1, s26, s17, $0xb8;
	[tilespmem:$0x7080] =	vst v63  }
0x6a: {  	s22 =	smov.u32 s30;
	s28 =	sadd.s32 $0x480, s28;
	s26 =	sadd.s32 $0x5880, s29  }
0x6b: {  	[tilespmem:s26], [sflag:$0x1] =	stream.indirect.gather [hbm4b:s3+s17], $0x1, s28, s17, $0xb8;
	[tilespmem:$0x7080] =	vst v63  }
0x6c: {  	s0 =	sadd.s32 $0x3800, s22;
	s23 =	sadd.s32 s22, s8  }
0x6d: {  	[tilespmem:s0], [sflag:$0x1] =	stream.indirect.gather [hbm4b:s3+s17], $0x1, s23, s17, $0xb8;
	[tilespmem:$0x7080] =	vst v63  }
0x6e: {  	s31 =	sadd.s32 $0x5400, s22;
	s24 =	sadd.s32 s22, s25  }
0x6f: {  	[tilespmem:s31], [sflag:$0x1] =	stream.indirect.gather [hbm4b:s3+s17], $0x1, s24, s17, $0xb8;
	[tilespmem:$0x7080] =	vst v63  }
0x70: {  	s25 =	sadd.s32 $0x3880, s22;
	s26 =	sadd.s32 $0x80, s23  }
0x71: {  	[tilespmem:s25], [sflag:$0x1] =	stream.indirect.gather [hbm4b:s3+s17], $0x1, s26, s17, $0xb8;
	[tilespmem:$0x7080] =	vst v63  }
0x72: {  	s28 =	sadd.s32 $0x5480, s22;
	s29 =	sadd.s32 $0x80, s24  }
0x73: {  	[tilespmem:s28], [sflag:$0x1] =	stream.indirect.gather [hbm4b:s3+s17], $0x1, s29, s17, $0xb8;
	[tilespmem:$0x7080] =	vst v63  }
0x74: {  	s30 =	sadd.s32 $0x3900, s22;
	s31 =	sadd.s32 $0x100, s23  }
0x75: {  	[tilespmem:s30], [sflag:$0x1] =	stream.indirect.gather [hbm4b:s3+s17], $0x1, s31, s17, $0xb8;
	[tilespmem:$0x7080] =	vst v63  }
0x76: {  	s25 =	sadd.s32 $0x5500, s22;
	s26 =	sadd.s32 $0x100, s24  }
0x77: {  	[tilespmem:s25], [sflag:$0x1] =	stream.indirect.gather [hbm4b:s3+s17], $0x1, s26, s17, $0xb8;
	[tilespmem:$0x7080] =	vst v63  }
0x78: {  	s28 =	sadd.s32 $0x3980, s22;
	s29 =	sadd.s32 $0x180, s23  }
0x79: {  	[tilespmem:s28], [sflag:$0x1] =	stream.indirect.gather [hbm4b:s3+s17], $0x1, s29, s17, $0xb8;
	[tilespmem:$0x7080] =	vst v63  }
0x7a: {  	s30 =	sadd.s32 $0x5580, s22;
	s31 =	sadd.s32 $0x180, s24  }
0x7b: {  	[tilespmem:s30], [sflag:$0x1] =	stream.indirect.gather [hbm4b:s3+s17], $0x1, s31, s17, $0xb8;
	[tilespmem:$0x7080] =	vst v63  }
0x7c: {  	s25 =	sadd.s32 $0x3A00, s22;
	s26 =	sadd.s32 $0x200, s23  }
0x7d: {  	[tilespmem:s25], [sflag:$0x1] =	stream.indirect.gather [hbm4b:s3+s17], $0x1, s26, s17, $0xb8;
	[tilespmem:$0x7080] =	vst v63  }
0x7e: {  	s28 =	sadd.s32 $0x5600, s22;
	s29 =	sadd.s32 $0x200, s24  }
0x7f: {  	[tilespmem:s28], [sflag:$0x1] =	stream.indirect.gather [hbm4b:s3+s17], $0x1, s29, s17, $0xb8;
	[tilespmem:$0x7080] =	vst v63  }
0x80: {  	s30 =	sadd.s32 $0x3A80, s22;
	s31 =	sadd.s32 $0x280, s23  }
0x81: {  	[tilespmem:s30], [sflag:$0x1] =	stream.indirect.gather [hbm4b:s3+s17], $0x1, s31, s17, $0xb8;
	[tilespmem:$0x7080] =	vst v63  }
0x82: {  	s25 =	sadd.s32 $0x5680, s22;
	s26 =	sadd.s32 $0x280, s24  }
0x83: {  	[tilespmem:s25], [sflag:$0x1] =	stream.indirect.gather [hbm4b:s3+s17], $0x1, s26, s17, $0xb8;
	[tilespmem:$0x7080] =	vst v63  }
0x84: {  	s28 =	sadd.s32 $0x3B00, s22;
	s29 =	sadd.s32 $0x300, s23  }
0x85: {  	[tilespmem:s28], [sflag:$0x1] =	stream.indirect.gather [hbm4b:s3+s17], $0x1, s29, s17, $0xb8;
	[tilespmem:$0x7080] =	vst v63  }
0x86: {  	s30 =	sadd.s32 $0x5700, s22;
	s31 =	sadd.s32 $0x300, s24  }
0x87: {  	[tilespmem:s30], [sflag:$0x1] =	stream.indirect.gather [hbm4b:s3+s17], $0x1, s31, s17, $0xb8;
	[tilespmem:$0x7080] =	vst v63  }
0x88: {  	s25 =	sadd.s32 $0x3B80, s22;
	s26 =	sadd.s32 $0x380, s23  }
0x89: {  	[tilespmem:s25], [sflag:$0x1] =	stream.indirect.gather [hbm4b:s3+s17], $0x1, s26, s17, $0xb8;
	[tilespmem:$0x7080] =	vst v63  }
0x8a: {  	s28 =	sadd.s32 $0x5780, s22;
	s29 =	sadd.s32 $0x380, s24  }
0x8b: {  	[tilespmem:s28], [sflag:$0x1] =	stream.indirect.gather [hbm4b:s3+s17], $0x1, s29, s17, $0xb8;
	[tilespmem:$0x7080] =	vst v63  }
0x8c: {  	s30 =	sadd.s32 $0x3C00, s22;
	s31 =	sadd.s32 $0x400, s23  }
0x8d: {  	[tilespmem:s30], [sflag:$0x1] =	stream.indirect.gather [hbm4b:s3+s17], $0x1, s31, s17, $0xb8;
	[tilespmem:$0x7080] =	vst v63  }
0x8e: {  	s25 =	sadd.s32 $0x5800, s22;
	s26 =	sadd.s32 $0x400, s24  }
0x8f: {  	[tilespmem:s25], [sflag:$0x1] =	stream.indirect.gather [hbm4b:s3+s17], $0x1, s26, s17, $0xb8;
	[tilespmem:$0x7080] =	vst v63  }
0x90: {  	s23 =	sadd.s32 $0x480, s23;
	s28 =	sadd.s32 $0x3C80, s22  }
0x91: {  	[tilespmem:s28], [sflag:$0x1] =	stream.indirect.gather [hbm4b:s3+s17], $0x1, s23, s17, $0xb8;
	[tilespmem:$0x7080] =	vst v63  }
0x92: {  	s29 =	sadd.s32 $0x5880, s22;
	s30 =	sadd.s32 $0x480, s24  }
0x93: {  	[tilespmem:s29], [sflag:$0x1] =	stream.indirect.gather [hbm4b:s3+s17], $0x1, s30, s17, $0xb8;
	[tilespmem:$0x7080] =	vst v63  }
0x94: {  	_ =	swait.ge [sflag:s18], $0xC80  }
0x95: {  	[sflag:s18] =	ssyncset.done $0x0  }
0x96: {  	s31 =	simm.s32 $0x0;
	[sflag:s18] =	ssyncadd.s32 $0xFFFFF380  }
0x97: {  	v1 =	vld [tilespmem:s31+$0x5400]  }
0x98: {  	v4 =	vimm.f32 $0.0e+00;
	v2 =	vimm.f32 $0.0e+00;
	v5 =	vimm.f32 $0.0e+00;
	s22 =	simm.s32 $0x200;
	v3 =	vld [tilespmem:s31+$0x3800]  }
.LBB2_4:
0x99: {  	_ = 	snop  }
0x9a: {  	p0 =	sne.s32 s22, $0x6200  }
.Ltmp1:
0x9b: {  	_ = 	snop;
	(pc) =	sbr.rel @p0 .LBB2_4-.Ltmp1, $4  }
0x9c: {  	v6 =	vmul.f32 v1, v1  }
0x9d: {  	s0 =	sshra.s32 s22, $0x2;
	v7 =	vmul.f32 v1, v3;
	v8 =	vmul.f32 v3, v3  }
0x9e: {  	v1 =	vld [tilespmem:s0+$0x5400];
	v4 =	vadd.f32 v6, v4  }
0x9f: {  	s22 =	sadd.s32 $0x200, s22;
	v3 =	vld [tilespmem:s0+$0x3800];
	v2 =	vadd.f32 v7, v2;
	v5 =	vadd.f32 v8, v5  }
0xa0: {  	_ =	sdelay $0x3  }
0xa1: {  	v6 =	vmul.f32 v1, v1;
	v7 =	vmul.f32 v3, v3;
	_ =	sdelay $0x1  }
0xa2: {  	v4 =	vadd.f32 v6, v4;
	v5 =	vadd.f32 v7, v5;
	_ =	sdelay $0x1  }
0xa3: {  	v4 =	vmax.f32 v4, $1.000000020e-16;
	v5 =	vmax.f32 v5, $1.000000020e-16  }
0xa4: {  	v4 =	vmul.f32 v4, v5;
	_ =	sdelay $0x1  }
0xa5: {  	v5 =	vmul.f32 $5.421010860e-20, v4  }
0xa6: {  	vm11 =	vge.f32 v4, $1.844674410e+19  }
0xa7: {  	v4 =	vsel vm11, v5, v4  }
0xa8: {  	v5 =	vmul.f32 $2.328306440e-10, v4  }
0xa9: {  	vm9 =	vge.f32 v4, $4.294967300e+09  }
0xaa: {  	v4 =	vsel vm9, v5, v4  }
0xab: {  	v5 =	vmul.f32 $1.525878910e-05, v4  }
0xac: {  	vm10 =	vge.f32 v4, $6.553600000e+04  }
0xad: {  	v4 =	vsel vm10, v5, v4  }
0xae: {  	v5 =	vmul.f32 $3.906250000e-03, v4  }
0xaf: {  	vm7 =	vge.f32 v4, $2.560000000e+02  }
0xb0: {  	v4 =	vsel vm7, v5, v4  }
0xb1: {  	v5 =	vmul.f32 $6.250000000e-02, v4  }
0xb2: {  	vm8 =	vge.f32 v4, $1.600000000e+01  }
0xb3: {  	v4 =	vsel vm8, v5, v4  }
0xb4: {  	v5 =	vmul.f32 $2.500000000e-01, v4  }
0xb5: {  	vm5 =	vge.f32 v4, $4.000000000e+00  }
0xb6: {  	v4 =	vsel vm5, v5, v4  }
0xb7: {  	v5 =	vmul.f32 $1.844674410e+19, v4  }
0xb8: {  	vm6 =	vlt.f32 v4, $2.168404340e-19  }
0xb9: {  	v4 =	vsel vm6, v5, v4  }
0xba: {  	v5 =	vmul.f32 $4.294967300e+09, v4  }
0xbb: {  	vm3 =	vlt.f32 v4, $9.313225740e-10  }
0xbc: {  	v4 =	vsel vm3, v5, v4  }
0xbd: {  	v5 =	vmul.f32 $6.553600000e+04, v4  }
0xbe: {  	vm4 =	vlt.f32 v4, $6.103515630e-05  }
0xbf: {  	v4 =	vsel vm4, v5, v4  }
0xc0: {  	v5 =	vmul.f32 $2.560000000e+02, v4  }
0xc1: {  	vm1 =	vlt.f32 v4, $1.562500000e-02  }
0xc2: {  	v4 =	vsel vm1, v5, v4  }
0xc3: {  	v5 =	vmul.f32 $1.600000000e+01, v4  }
0xc4: {  	vm2 =	vlt.f32 v4, $2.500000000e-01  }
0xc5: {  	v4 =	vsel vm2, v5, v4  }
0xc6: {  	v5 =	vmul.f32 $4.000000000e+00, v4  }
0xc7: {  	vm0 =	vlt.f32 v4, $1.000000000e+00  }
0xc8: {  	v4 =	vsel vm0, v5, v4  }
0xc9: {  	v5 =	vmul.f32 $-4.582999940e-01, v4;
	v6 =	vmul.f32 $5.829999970e-02, v4;
	_ =	sdelay $0x1  }
0xca: {  	v5 =	vadd.f32 $1.399999980e+00, v5;
	v6 =	vmul.f32 v6, v4;
	_ =	sdelay $0x1  }
0xcb: {  	v7 =	vsel vm11, $0x2F800000, v0;
	v4 =	vmul.f32 $5.000000000e-01, v4;
	v5 =	vadd.f32 v6, v5  }
0xcc: {  	v6 =	vmul.f32 $1.525878910e-05, v7  }
0xcd: {  	v8 =	vmul.f32 v5, v4  }
0xce: {  	v6 =	vsel vm9, v6, v7  }
0xcf: {  	v7 =	vmul.f32 $3.906250000e-03, v6;
	v8 =	vmul.f32 v8, v5;
	_ =	sdelay $0x1  }
0xd0: {  	v6 =	vsel vm10, v7, v6;
	v7 =	vsub.f32 $1.500000000e+00, v8  }
0xd1: {  	v60 =	vmul.f32 $6.250000000e-02, v6  }
0xd2: {  	v5 =	vmul.f32 v7, v5  }
0xd3: {  	v6 =	vsel vm7, v60, v6  }
0xd4: {  	v7 =	vmul.f32 $2.500000000e-01, v6;
	v61 =	vmul.f32 v5, v4;
	_ =	sdelay $0x1  }
0xd5: {  	v6 =	vsel vm8, v7, v6;
	v7 =	vmul.f32 v61, v5  }
0xd6: {  	v62 =	vmul.f32 $5.000000000e-01, v6  }
0xd7: {  	v7 =	vsub.f32 $1.500000000e+00, v7  }
0xd8: {  	v6 =	vsel vm5, v62, v6  }
0xd9: {  	v5 =	vmul.f32 v7, v5;
	v7 =	vmul.f32 $4.294967300e+09, v6;
	_ =	sdelay $0x1  }
0xda: {  	v6 =	vsel vm6, v7, v6;
	v7 =	vmul.f32 v5, v4  }
0xdb: {  	v63 =	vmul.f32 $6.553600000e+04, v6  }
0xdc: {  	v7 =	vmul.f32 v7, v5  }
0xdd: {  	v6 =	vsel vm3, v63, v6  }
0xde: {  	v8 =	vmul.f32 $2.560000000e+02, v6;
	v7 =	vsub.f32 $1.500000000e+00, v7;
	_ =	sdelay $0x1  }
0xdf: {  	v6 =	vsel vm4, v8, v6;
	v5 =	vmul.f32 v7, v5  }
0xe0: {  	v7 =	vmul.f32 $1.600000000e+01, v6  }
0xe1: {  	v4 =	vmul.f32 v5, v4  }
0xe2: {  	v6 =	vsel vm1, v7, v6  }
0xe3: {  	v7 =	vmul.f32 $4.000000000e+00, v6;
	v4 =	vmul.f32 v4, v5;
	_ =	sdelay $0x1  }
0xe4: {  	v6 =	vsel vm2, v7, v6;
	v4 =	vsub.f32 $1.500000000e+00, v4  }
0xe5: {  	v7 =	vadd.f32 v6, v6  }
0xe6: {  	v1 =	vmul.f32 v1, v3;
	v3 =	vmul.f32 v4, v5  }
0xe7: {  	v4 =	vsel vm0, v7, v6  }
0xe8: {  	v1 =	vadd.f32 v1, v2;
	v2 =	vmul.f32 v3, v4;
	_ =	sdelay $0x1  }
0xe9: {  	v1 =	vmul.f32 v2, v1;
	_ =	sdelay $0x1  }
0xea: {  	v1 =	vsub.f32 $0.0e+00, v1;
	_ =	sdelay $0x1  }
0xeb: {  	v1 =	vmul.f32 $1.442695020e+00, v1;
	_ =	sdelay $0x1  }
0xec: {  	(erf) = vpow2.f32 v1;
	_ =	sdelay $0x8  }
0xed: {  	v1 =	vpop (erf)  }
0xee: {  	v1 =	vadd.f32 $1.000000000e+00, v1;
	_ =	sdelay $0x1  }
0xef: {  	(erf) = vrcp.f32 v1;
	_ =	sdelay $0x8  }
0xf0: {  	v1 =	vpop (erf)  }
0xf1: {  	s0 =	simm.s32 $0x10;
	[tilespmem:$0x7000] =	vst v1  }
0xf2: {  	v1 =	vld [tilespmem:s0+$0x5400]  }
0xf3: {  	s22 =	simm.s32 $0x240;
	v5 =	vimm.f32 $0.0e+00;
	v4 =	vimm.f32 $0.0e+00;
	v2 =	vimm.f32 $0.0e+00;
	v3 =	vld [tilespmem:s0+$0x3800]  }
.LBB2_6:
0xf4: {  	_ = 	snop  }
0xf5: {  	p0 =	sne.s32 s22, $0x6240  }
.Ltmp2:
0xf6: {  	_ = 	snop;
	(pc) =	sbr.rel @p0 .LBB2_6-.Ltmp2, $4  }
0xf7: {  	v6 =	vmul.f32 v1, v1  }
0xf8: {  	s0 =	sshra.s32 s22, $0x2;
	v7 =	vmul.f32 v1, v3;
	v8 =	vmul.f32 v3, v3  }
0xf9: {  	v1 =	vld [tilespmem:s0+$0x5400];
	v4 =	vadd.f32 v6, v4  }
0xfa: {  	s22 =	sadd.s32 $0x200, s22;
	v3 =	vld [tilespmem:s0+$0x3800];
	v2 =	vadd.f32 v7, v2;
	v5 =	vadd.f32 v8, v5  }
0xfb: {  	_ =	sdelay $0x3  }
0xfc: {  	v6 =	vmul.f32 v1, v1;
	v7 =	vmul.f32 v3, v3;
	_ =	sdelay $0x1  }
0xfd: {  	v4 =	vadd.f32 v6, v4;
	v5 =	vadd.f32 v7, v5;
	_ =	sdelay $0x1  }
0xfe: {  	v4 =	vmax.f32 v4, $1.000000020e-16;
	v5 =	vmax.f32 v5, $1.000000020e-16  }
0xff: {  	v4 =	vmul.f32 v4, v5;
	_ =	sdelay $0x1  }
0x100: {  	v5 =	vmul.f32 $5.421010860e-20, v4  }
0x101: {  	vm11 =	vge.f32 v4, $1.844674410e+19  }
0x102: {  	v4 =	vsel vm11, v5, v4  }
0x103: {  	v5 =	vmul.f32 $2.328306440e-10, v4  }
0x104: {  	vm9 =	vge.f32 v4, $4.294967300e+09  }
0x105: {  	v4 =	vsel vm9, v5, v4  }
0x106: {  	v5 =	vmul.f32 $1.525878910e-05, v4  }
0x107: {  	vm10 =	vge.f32 v4, $6.553600000e+04  }
0x108: {  	v4 =	vsel vm10, v5, v4  }
0x109: {  	v5 =	vmul.f32 $3.906250000e-03, v4  }
0x10a: {  	vm7 =	vge.f32 v4, $2.560000000e+02  }
0x10b: {  	v4 =	vsel vm7, v5, v4  }
0x10c: {  	v5 =	vmul.f32 $6.250000000e-02, v4  }
0x10d: {  	vm8 =	vge.f32 v4, $1.600000000e+01  }
0x10e: {  	v4 =	vsel vm8, v5, v4  }
0x10f: {  	v5 =	vmul.f32 $2.500000000e-01, v4  }
0x110: {  	vm5 =	vge.f32 v4, $4.000000000e+00  }
0x111: {  	v4 =	vsel vm5, v5, v4  }
0x112: {  	v5 =	vmul.f32 $1.844674410e+19, v4  }
0x113: {  	vm6 =	vlt.f32 v4, $2.168404340e-19  }
0x114: {  	v4 =	vsel vm6, v5, v4  }
0x115: {  	v5 =	vmul.f32 $4.294967300e+09, v4  }
0x116: {  	vm3 =	vlt.f32 v4, $9.313225740e-10  }
0x117: {  	v4 =	vsel vm3, v5, v4  }
0x118: {  	v5 =	vmul.f32 $6.553600000e+04, v4  }
0x119: {  	vm4 =	vlt.f32 v4, $6.103515630e-05  }
0x11a: {  	v4 =	vsel vm4, v5, v4  }
0x11b: {  	v5 =	vmul.f32 $2.560000000e+02, v4  }
0x11c: {  	vm1 =	vlt.f32 v4, $1.562500000e-02  }
0x11d: {  	v4 =	vsel vm1, v5, v4  }
0x11e: {  	v5 =	vmul.f32 $1.600000000e+01, v4  }
0x11f: {  	vm2 =	vlt.f32 v4, $2.500000000e-01  }
0x120: {  	v4 =	vsel vm2, v5, v4  }
0x121: {  	v5 =	vmul.f32 $4.000000000e+00, v4  }
0x122: {  	vm0 =	vlt.f32 v4, $1.000000000e+00  }
0x123: {  	v4 =	vsel vm0, v5, v4  }
0x124: {  	v5 =	vmul.f32 $-4.582999940e-01, v4;
	v50 =	vmul.f32 $5.829999970e-02, v4;
	_ =	sdelay $0x1  }
0x125: {  	v5 =	vadd.f32 $1.399999980e+00, v5;
	v6 =	vmul.f32 v50, v4;
	_ =	sdelay $0x1  }
0x126: {  	v51 =	vsel vm11, $0x2F800000, v0;
	v4 =	vmul.f32 $5.000000000e-01, v4;
	v5 =	vadd.f32 v6, v5  }
0x127: {  	v52 =	vmul.f32 $1.525878910e-05, v51  }
0x128: {  	v8 =	vmul.f32 v5, v4  }
0x129: {  	v6 =	vsel vm9, v52, v51  }
0x12a: {  	v7 =	vmul.f32 $3.906250000e-03, v6;
	v8 =	vmul.f32 v8, v5;
	_ =	sdelay $0x1  }
0x12b: {  	v6 =	vsel vm10, v7, v6;
	v53 =	vsub.f32 $1.500000000e+00, v8  }
0x12c: {  	v54 =	vmul.f32 $6.250000000e-02, v6  }
0x12d: {  	v5 =	vmul.f32 v53, v5  }
0x12e: {  	v6 =	vsel vm7, v54, v6  }
0x12f: {  	v55 =	vmul.f32 $2.500000000e-01, v6;
	v56 =	vmul.f32 v5, v4;
	_ =	sdelay $0x1  }
0x130: {  	v6 =	vsel vm8, v55, v6;
	v57 =	vmul.f32 v56, v5  }
0x131: {  	v58 =	vmul.f32 $5.000000000e-01, v6  }
0x132: {  	v7 =	vsub.f32 $1.500000000e+00, v57  }
0x133: {  	v6 =	vsel vm5, v58, v6  }
0x134: {  	v59 =	vmul.f32 $4.294967300e+09, v6;
	v5 =	vmul.f32 v7, v5;
	_ =	sdelay $0x1  }
0x135: {  	v6 =	vsel vm6, v59, v6;
	v60 =	vmul.f32 v5, v4  }
0x136: {  	v61 =	vmul.f32 $6.553600000e+04, v6  }
0x137: {  	v7 =	vmul.f32 v60, v5  }
0x138: {  	v6 =	vsel vm3, v61, v6  }
0x139: {  	v8 =	vmul.f32 $2.560000000e+02, v6;
	v7 =	vsub.f32 $1.500000000e+00, v7;
	_ =	sdelay $0x1  }
0x13a: {  	v6 =	vsel vm4, v8, v6;
	v5 =	vmul.f32 v7, v5  }
0x13b: {  	v62 =	vmul.f32 $1.600000000e+01, v6  }
0x13c: {  	v4 =	vmul.f32 v5, v4  }
0x13d: {  	v6 =	vsel vm1, v62, v6  }
0x13e: {  	v7 =	vmul.f32 $4.000000000e+00, v6;
	v4 =	vmul.f32 v4, v5;
	_ =	sdelay $0x1  }
0x13f: {  	v6 =	vsel vm2, v7, v6;
	v4 =	vsub.f32 $1.500000000e+00, v4  }
0x140: {  	v7 =	vadd.f32 v6, v6  }
0x141: {  	v1 =	vmul.f32 v1, v3;
	v3 =	vmul.f32 v4, v5  }
0x142: {  	v63 =	vsel vm0, v7, v6  }
0x143: {  	v1 =	vadd.f32 v1, v2;
	v2 =	vmul.f32 v3, v63;
	_ =	sdelay $0x1  }
0x144: {  	v1 =	vmul.f32 v2, v1;
	_ =	sdelay $0x1  }
0x145: {  	v1 =	vsub.f32 $0.0e+00, v1;
	_ =	sdelay $0x1  }
0x146: {  	v1 =	vmul.f32 $1.442695020e+00, v1;
	_ =	sdelay $0x1  }
0x147: {  	(erf) = vpow2.f32 v1;
	_ =	sdelay $0x8  }
0x148: {  	v1 =	vpop (erf)  }
0x149: {  	v1 =	vadd.f32 $1.000000000e+00, v1;
	_ =	sdelay $0x1  }
0x14a: {  	(erf) = vrcp.f32 v1;
	_ =	sdelay $0x7  }
0x14b: {  	s21 =	sadd.s32 $0x1, s21  }
0x14c: {  	p0 =	sne.s32 s21, s10;
	v1 =	vpop (erf)  }
.Ltmp3:
0x14d: {  	[tilespmem:$0x7010] =	vst v1;
	(pc) =	sbr.rel @p0 .LBB2_1-.Ltmp3, $4  }
0x14e: {  	[hbm4b:s9+s2] =	stream.linear.scatter [tilespmem:s19], [sflag:$0x3], $0x20, $0x38;
	[tilespmem:$0x7080] =	vst v63  }
0x14f: {  	_ =	swait.ge [sflag:s20], $0x20  }
0x150: {  	[sflag:s20] =	ssyncset.done $0x0  }
0x151: {  	[sflag:s20] =	ssyncadd.s32 $0xFFFFFFE0  }
0x152: {  	_ =	sfence.sel $0x180000  }
0x153: {  	[bflag:$0x0] =	sbarrier.arrive $0xFFFF  }
0x154: {  	_ =	strace $0x90000047  }
0x155: {  	[bflag:$0x2] =	sbarrier.arrive $0xFFFF  }
0x156: {  	p0 =	sne.s32 s1, $0x0;
	s0 =	rddreg [dreg:$0x4]  }
0x157: {  	s0 =	sadd.s32 @!p0 $0x100000, s0  }
0x158: {  	[sflag:s0] =	ssyncadd.tile.s32 @!p0 $0x1;
	_ =	shalt  }
.Lfunc_end2:
_tile_overlayer_lowered:
.L_overlay_start_2:
0x159: {  	(tag) =	ssettag $0x2  }
0x15a: {  	s0 =	rddreg [dreg:$0x0];
	s2 =	stileid.u32  }
0x15b: {  	s1 =	rddreg [dreg:$0x1];
	p0 =	sne.s32 s2, $0x0  }
0x15c: {  	s3 =	rddreg [dreg:$0x2];
	[bflag:$0x3] =	sbarrier.arrive $0xFFFF;
	s2 =	simm.s32 @!p0 $0x1C03  }
0x15d: {  	[timem:s3], [sflag:s2] =	dma.local @!p0 [hbm:s0], s1  }
0x15e: {  	s0 =	simm.s32 @!p0 $0x3  }
0x15f: {  	_ =	swait.ge @!p0 [sflag:s0], s1  }
0x160: {  	s1 =	ssub.s32 @!p0 $0x0, s1;
	[sflag:s0] =	ssyncset.done @!p0 $0x0  }
0x161: {  	[sflag:s0] =	ssyncadd.s32 @!p0 s1  }
0x162: {  	[bflag:$0x3] =	sbarrier.arrive $0xFFFF  }
0x163: {  	_ =	shalt  }

</sc_bundles>
